<compile_context>
chip_gen: v7x
topology: tpu7x:2x2x1
jax: 0.10.2.dev20260603
libtpu: 0.0.44.dev20260713+nightly
codegen_flags: <defaults>
</compile_context>

<pallas_src>
import functools

import jax
import jax.numpy as jnp
from jax import lax
from jax.experimental import pallas as pl
from jax.experimental.pallas import tpu as pltpu
from jax.experimental.pallas import tpu_sc as plsc

_POOLED = 7
_GROUP = 7
_OUT_DIM = 10
_SCALE = 0.125

_B = 2
_C = _OUT_DIM * _GROUP * _GROUP
_H = 64
_W = 64
_N = 512

_PQ = _GROUP * _GROUP
_DP = 16
_HP = _H + 1
_WP = _W + 1
_TBL_BLOCKS = _B * _PQ
_TBL_ROWS = _TBL_BLOCKS * _HP * _WP

_NC = 2
_NS = 16
_NW = _NC * _NS
_ITEMS = _N * _PQ
_PER_TILE = _ITEMS // _NW
_CH = 7
_CW = _PER_TILE // _CH


def _integral_body(x_ref, o_ref):
    x = x_ref[0].reshape(_H, _W * _DP)
    for s in (1, 2, 4, 8, 16, 32):
        x = x + jnp.concatenate(
            [jnp.zeros((s, _W * _DP), jnp.float32), x[:-s, :]], axis=0)
    for s in (1, 2, 4, 8, 16, 32):
        sl = s * _DP
        x = x + jnp.concatenate(
            [jnp.zeros((_H, sl), jnp.float32), x[:, :-sl]], axis=1)
    full = jnp.concatenate([jnp.zeros((_H, _DP), jnp.float32), x], axis=1)
    full = jnp.concatenate(
        [jnp.zeros((1, _WP * _DP), jnp.float32), full], axis=0)
    o_ref[0] = full.reshape(_HP, _WP, _DP)


def _build_table(feats_p):
    return pl.pallas_call(
        _integral_body,
        grid=(_TBL_BLOCKS,),
        in_specs=[pl.BlockSpec((1, _H, _W, _DP), lambda i: (i, 0, 0, 0))],
        out_specs=pl.BlockSpec((1, _HP, _WP, _DP), lambda i: (i, 0, 0, 0)),
        out_shape=jax.ShapeDtypeStruct((_TBL_BLOCKS, _HP, _WP, _DP),
                                       jnp.float32),
    )(feats_p)


def _build_indices(rois):
    b = rois[:, 0].astype(jnp.int32)
    x1 = jnp.round(rois[:, 1]) * _SCALE
    y1 = jnp.round(rois[:, 2]) * _SCALE
    x2 = (jnp.round(rois[:, 3]) + 1.0) * _SCALE
    y2 = (jnp.round(rois[:, 4]) + 1.0) * _SCALE
    roi_w = jnp.maximum(x2 - x1, 0.1)
    roi_h = jnp.maximum(y2 - y1, 0.1)
    bin_h = roi_h / float(_POOLED)
    bin_w = roi_w / float(_POOLED)
    pidx = jnp.arange(_POOLED, dtype=jnp.float32)
    hs = jnp.clip(jnp.floor(pidx[None, :] * bin_h[:, None] + y1[:, None]),
                  0, _H).astype(jnp.int32)
    he = jnp.clip(jnp.ceil((pidx[None, :] + 1.0) * bin_h[:, None]
                           + y1[:, None]), 0, _H).astype(jnp.int32)
    ws = jnp.clip(jnp.floor(pidx[None, :] * bin_w[:, None] + x1[:, None]),
                  0, _W).astype(jnp.int32)
    we = jnp.clip(jnp.ceil((pidx[None, :] + 1.0) * bin_w[:, None]
                           + x1[:, None]), 0, _W).astype(jnp.int32)

    hs2 = jnp.broadcast_to(hs[:, :, None], (_N, _POOLED, _POOLED))
    he2 = jnp.broadcast_to(he[:, :, None], (_N, _POOLED, _POOLED))
    ws2 = jnp.broadcast_to(ws[:, None, :], (_N, _POOLED, _POOLED))
    we2 = jnp.broadcast_to(we[:, None, :], (_N, _POOLED, _POOLED))
    pq = jnp.arange(_PQ, dtype=jnp.int32).reshape(1, _POOLED, _POOLED)
    base = (b[:, None, None] * _PQ + pq) * (_HP * _WP)
    idx = jnp.stack([
        base + he2 * _WP + we2,
        base + hs2 * _WP + we2,
        base + he2 * _WP + ws2,
        base + hs2 * _WP + ws2,
    ]).reshape(4, _N, _PQ)
    cnt = ((he2 - hs2) * (we2 - ws2)).astype(jnp.float32).reshape(_N, _PQ)
    recip = jnp.where(cnt > 0.0, 1.0 / jnp.maximum(cnt, 1.0), 0.0)
    return idx, recip


def _sc_pool_body(table_ref, idx_ref, recip_ref, out_ref,
                  idx_v, recip_v, r0, r1, r2, r3, out_v, sem):
    wid = lax.axis_index("s") * _NC + lax.axis_index("c")
    for k in range(4):
        pltpu.sync_copy(idx_ref.at[k, wid], idx_v.at[k])
    pltpu.sync_copy(recip_ref.at[wid], recip_v)
    rows = (r0, r1, r2, r3)
    copies = []
    for k in range(4):
        for j in range(_CH):
            copies.append(
                pltpu.async_copy(table_ref.at[idx_v.at[k, j]],
                                 rows[k].at[pl.ds(j * _CW, _CW)], sem))
    for cp in copies:
        cp.wait()

    def body(g, _):
        base = g * 16
        rv = recip_v[pl.ds(base, 16)]
        for t in range(16):
            i = base + t
            out_v[i] = ((r0[i] - r1[i]) - (r2[i] - r3[i])) * rv[t]
        return 0
    lax.fori_loop(0, _PER_TILE // 16, body, 0)
    pltpu.sync_copy(out_v, out_ref.at[wid])


def _sc_pool(table_flat, idx_r, recip_r):
    mesh = plsc.VectorSubcoreMesh(core_axis_name="c", subcore_axis_name="s",
                                  num_cores=_NC, num_subcores=_NS)
    fn = pl.kernel(
        _sc_pool_body,
        out_type=jax.ShapeDtypeStruct((_NW, _PER_TILE, _DP), jnp.float32),
        mesh=mesh,
        compiler_params=pltpu.CompilerParams(use_tc_tiling_on_sc=False),
        scratch_types=[
            pltpu.VMEM((4, _CH, _CW), jnp.int32),
            pltpu.VMEM((_PER_TILE,), jnp.float32),
            pltpu.VMEM((_PER_TILE, _DP), jnp.float32),
            pltpu.VMEM((_PER_TILE, _DP), jnp.float32),
            pltpu.VMEM((_PER_TILE, _DP), jnp.float32),
            pltpu.VMEM((_PER_TILE, _DP), jnp.float32),
            pltpu.VMEM((_PER_TILE, _DP), jnp.float32),
            pltpu.SemaphoreType.DMA,
        ],
    )
    return fn(table_flat, idx_r, recip_r)


@jax.jit
def kernel(features, rois):
    feats_r = features.reshape(_B, _OUT_DIM, _PQ, _H, _W)
    feats_t = jnp.transpose(feats_r, (0, 2, 3, 4, 1))
    feats_p = jnp.concatenate(
        [feats_t,
         jnp.zeros((_B, _PQ, _H, _W, _DP - _OUT_DIM), jnp.float32)],
        axis=-1).reshape(_TBL_BLOCKS, _H, _W, _DP)

    table = _build_table(feats_p).reshape(_TBL_ROWS, _DP)
    idx, recip = _build_indices(rois)
    idx_r = idx.reshape(4, _NW, _CH, _CW)
    recip_r = recip.reshape(_NW, _PER_TILE)

    pooled = _sc_pool(table, idx_r, recip_r)
    out = pooled.reshape(_N, _PQ, _DP)[:, :, :_OUT_DIM]
    out = out.reshape(_N, _POOLED, _POOLED, _OUT_DIM)
    return jnp.transpose(out, (0, 3, 1, 2))

# --- scband reference (transcript-rebuilt; emitter-appended) ---
"""Pipeline reference for scband-psro-ipool-32633161515777 (READ-ONLY COPY).

The authoritative reference and input builder live on the scoring server;
editing this copy changes nothing except your own understanding.
"""

import jax, jax.numpy as jnp
import numpy as np

POOLED = 7
GROUP = 7
OUT_DIM = 10
SPATIAL_SCALE = 0.125
IMG = 512


def setup_inputs(seed: int = 0) -> dict:
    key = jax.random.key(seed)
    k1, k2, k3, k4, k5, k6 = jax.random.split(key, 6)
    B, C, H, W = 2, OUT_DIM * GROUP * GROUP, 64, 64
    N = 512
    features = jax.random.normal(k1, (B, C, H, W), dtype=jnp.float32)
    batch_idx = jax.random.randint(k2, (N,), 0, B).astype(jnp.float32)
    cx = jax.random.uniform(k3, (N,), minval=0.0, maxval=float(IMG - 1))
    cy = jax.random.uniform(k4, (N,), minval=0.0, maxval=float(IMG - 1))
    bw = jax.random.uniform(k5, (N,), minval=16.0, maxval=256.0)
    bh = jax.random.uniform(k6, (N,), minval=16.0, maxval=256.0)
    x1 = jnp.clip(cx - bw / 2.0, 0.0, float(IMG - 1))
    y1 = jnp.clip(cy - bh / 2.0, 0.0, float(IMG - 1))
    x2 = jnp.clip(cx + bw / 2.0, 0.0, float(IMG - 1))
    y2 = jnp.clip(cy + bh / 2.0, 0.0, float(IMG - 1))
    x2 = jnp.maximum(x2, x1)
    y2 = jnp.maximum(y2, y1)
    rois = jnp.stack([batch_idx, x1, y1, x2, y2], axis=1).astype(jnp.float32)
    return {"features": features, "rois": rois}


def _psroi_pool(features, rois):
    B, C, H, W = features.shape
    N = rois.shape[0]
    D, G, P = OUT_DIM, GROUP, POOLED
    batch_idx = rois[:, 0].astype(jnp.int32)
    x1 = jnp.round(rois[:, 1]) * SPATIAL_SCALE
    y1 = jnp.round(rois[:, 2]) * SPATIAL_SCALE
    x2 = (jnp.round(rois[:, 3]) + 1.0) * SPATIAL_SCALE
    y2 = (jnp.round(rois[:, 4]) + 1.0) * SPATIAL_SCALE
    roi_w = jnp.maximum(x2 - x1, 0.1)
    roi_h = jnp.maximum(y2 - y1, 0.1)
    bin_h = roi_h / float(P)
    bin_w = roi_w / float(P)
    pidx = jnp.arange(P, dtype=jnp.float32)
    hstart = jnp.clip(jnp.floor(pidx[None, :] * bin_h[:, None] + y1[:, None]), 0, H).astype(jnp.int32)
    hend = jnp.clip(jnp.ceil((pidx[None, :] + 1.0) * bin_h[:, None] + y1[:, None]), 0, H).astype(jnp.int32)
    wstart = jnp.clip(jnp.floor(pidx[None, :] * bin_w[:, None] + x1[:, None]), 0, W).astype(jnp.int32)
    wend = jnp.clip(jnp.ceil((pidx[None, :] + 1.0) * bin_w[:, None] + x1[:, None]), 0, W).astype(jnp.int32)
    h_ar = jnp.arange(H, dtype=jnp.int32)
    w_ar = jnp.arange(W, dtype=jnp.int32)
    rowmask = ((h_ar[None, None, :] >= hstart[:, :, None]) & (h_ar[None, None, :] < hend[:, :, None])).astype(jnp.float32)
    colmask = ((w_ar[None, None, :] >= wstart[:, :, None]) & (w_ar[None, None, :] < wend[:, :, None])).astype(jnp.float32)
    cnt_h = jnp.maximum(hend - hstart, 0)
    cnt_w = jnp.maximum(wend - wstart, 0)
    cnt = (cnt_h[:, :, None] * cnt_w[:, None, :]).astype(jnp.float32)  # [N, P, P]
    feat_r = features.reshape(B, D, G, G, H, W)
    rows = []
    for p in range(P):
        cols = []
        for q in range(P):
            fb = feat_r[:, :, p, q]          # [B, D, H, W] (group channel for this bin)
            g = jnp.take(fb, batch_idx, axis=0)  # [N, D, H, W]
            s = jnp.einsum('nh,nw,ndhw->nd', rowmask[:, p], colmask[:, q], g)
            cols.append(s)
        rows.append(jnp.stack(cols, axis=-1))  # [N, D, P]
    out_sum = jnp.stack(rows, axis=-2)          # [N, D, P, P]
    cnt_b = cnt[:, None, :, :]
    out = jnp.where(cnt_b > 0, out_sum / jnp.maximum(cnt_b, 1.0), 0.0)
    return out


def reference(features, rois):
    return _psroi_pool(features, rois)

if __name__ == "__main__":
    import jax
    _d = setup_inputs()
    print(jax.jit(kernel)(*tuple(_d.values())))

</pallas_src>

<mosaic_0001>
#map = affine_map<(d0, d1) -> (0, 0)>
#map1 = affine_map<(d0, d1) -> (0, 0, 0, 0)>
#map2 = affine_map<(d0, d1) -> (0, 0, 0)>
module attributes {stable_mosaic.version = 14 : i64} {
  func.func @_sc_pool_body(%arg0: i32, %arg1: i32, %arg2: memref<414050x16xf32, #tpu.memory_space<hbm>>, %arg3: memref<4x32x7x112xi32, #tpu.memory_space<hbm>>, %arg4: memref<32x784xf32, #tpu.memory_space<hbm>>, %arg5: memref<32x784x16xf32, #tpu.memory_space<hbm>>, %arg6: memref<4x7x112xi32, #tpu.memory_space<vmem>>, %arg7: memref<784xf32, #tpu.memory_space<vmem>>, %arg8: memref<784x16xf32, #tpu.memory_space<vmem>>, %arg9: memref<784x16xf32, #tpu.memory_space<vmem>>, %arg10: memref<784x16xf32, #tpu.memory_space<vmem>>, %arg11: memref<784x16xf32, #tpu.memory_space<vmem>>, %arg12: memref<784x16xf32, #tpu.memory_space<vmem>>, %arg13: memref<!tpu.dma_semaphore, #tpu.memory_space<semaphore_mem>>) attributes {dimension_semantics = [#tpu.dimension_semantics<core_parallel>, #tpu.dimension_semantics<subcore_parallel>], iteration_bounds = array<i64: 2, 16>, scalar_prefetch = 0 : i64, scratch_operands = 8 : i64, tpu.core_type = #tpu.core_type<sc_vector_subcore>, window_params = [{transform_indices = #map}, {transform_indices = #map1}, {transform_indices = #map}, {transform_indices = #map2}]} {
    %mul3A = arith.constant 2 : i32
    %mul3A_0 = arith.muli %arg1, %mul3A : i32
    %add3A = arith.addi %mul3A_0, %arg0 : i32
    %run_scoped3A = arith.constant 0 : i32
    %run_scoped3A_1 = arith.constant 0 : i32
    "tpu.region"() ({
      %run_scoped3A_628 = tpu.sem_alloc : memref<!tpu.dma_semaphore, #tpu.memory_space<semaphore_mem>>
      %dma_start3A_629 = arith.constant 0 : i32
      %dma_start3A_630 = arith.constant 0 : i32
      %dma_start3A_631 = tpu.memref_slice %arg6[%run_scoped3A_1, %dma_start3A_629, %dma_start3A_630] : memref<4x7x112xi32, #tpu.memory_space<vmem>> -> memref<1x7x112xi32, #tpu.memory_space<vmem>>
      %dma_start3A_632 = tpu.memref_squeeze %dma_start3A_631 : memref<1x7x112xi32, #tpu.memory_space<vmem>> -> memref<7x112xi32, #tpu.memory_space<vmem>>
      %dma_start3A_633 = arith.constant 0 : i32
      %dma_start3A_634 = arith.constant 0 : i32
      %dma_start3A_635 = tpu.memref_slice %arg3[%run_scoped3A, %add3A, %dma_start3A_633, %dma_start3A_634] : memref<4x32x7x112xi32, #tpu.memory_space<hbm>> -> memref<1x1x7x112xi32, #tpu.memory_space<hbm>>
      %dma_start3A_636 = tpu.memref_squeeze %dma_start3A_635 : memref<1x1x7x112xi32, #tpu.memory_space<hbm>> -> memref<7x112xi32, #tpu.memory_space<hbm>>
      %dma_start3A_637 = arith.constant 0 : i32
      %dma_start3A_638 = arith.constant 0 : i32
      %dma_start3A_639 = tpu.memref_slice %arg6[%run_scoped3A_1, %dma_start3A_637, %dma_start3A_638] : memref<4x7x112xi32, #tpu.memory_space<vmem>> -> memref<1x7x112xi32, #tpu.memory_space<vmem>>
      %dma_start3A_640 = tpu.memref_squeeze %dma_start3A_639 : memref<1x7x112xi32, #tpu.memory_space<vmem>> -> memref<7x112xi32, #tpu.memory_space<vmem>>
      %dma_start3A_641 = arith.constant 0 : i32
      %dma_start3A_642 = arith.constant 0 : i32
      %dma_start3A_643 = tpu.memref_slice %arg3[%run_scoped3A, %add3A, %dma_start3A_641, %dma_start3A_642] : memref<4x32x7x112xi32, #tpu.memory_space<hbm>> -> memref<1x1x7x112xi32, #tpu.memory_space<hbm>>
      %dma_start3A_644 = tpu.memref_squeeze %dma_start3A_643 : memref<1x1x7x112xi32, #tpu.memory_space<hbm>> -> memref<7x112xi32, #tpu.memory_space<hbm>>
      tpu.enqueue_dma source(%dma_start3A_644 : memref<7x112xi32, #tpu.memory_space<hbm>>) target(%dma_start3A_640 : memref<7x112xi32, #tpu.memory_space<vmem>>) target_semaphore(%run_scoped3A_628 : memref<!tpu.dma_semaphore, #tpu.memory_space<semaphore_mem>>)
      %dma_wait3A_645 = arith.constant 0 : i32
      %dma_wait3A_646 = arith.constant 0 : i32
      %dma_wait3A_647 = tpu.memref_slice %arg6[%run_scoped3A_1, %dma_wait3A_645, %dma_wait3A_646] : memref<4x7x112xi32, #tpu.memory_space<vmem>> -> memref<1x7x112xi32, #tpu.memory_space<vmem>>
      %dma_wait3A_648 = tpu.memref_squeeze %dma_wait3A_647 : memref<1x7x112xi32, #tpu.memory_space<vmem>> -> memref<7x112xi32, #tpu.memory_space<vmem>>
      %dma_wait3A_649 = arith.constant 0 : i32
      %dma_wait3A_650 = arith.constant 0 : i32
      %dma_wait3A_651 = tpu.memref_slice %arg3[%run_scoped3A, %add3A, %dma_wait3A_649, %dma_wait3A_650] : memref<4x32x7x112xi32, #tpu.memory_space<hbm>> -> memref<1x1x7x112xi32, #tpu.memory_space<hbm>>
      %dma_wait3A_652 = tpu.memref_squeeze %dma_wait3A_651 : memref<1x1x7x112xi32, #tpu.memory_space<hbm>> -> memref<7x112xi32, #tpu.memory_space<hbm>>
      %dma_wait3A_653 = arith.constant 0 : i32
      %dma_wait3A_654 = arith.constant 0 : i32
      %dma_wait3A_655 = tpu.memref_slice %arg6[%run_scoped3A_1, %dma_wait3A_653, %dma_wait3A_654] : memref<4x7x112xi32, #tpu.memory_space<vmem>> -> memref<1x7x112xi32, #tpu.memory_space<vmem>>
      %dma_wait3A_656 = tpu.memref_squeeze %dma_wait3A_655 : memref<1x7x112xi32, #tpu.memory_space<vmem>> -> memref<7x112xi32, #tpu.memory_space<vmem>>
      %dma_wait3A_657 = arith.constant 0 : i32
      %dma_wait3A_658 = arith.constant 0 : i32
      %dma_wait3A_659 = tpu.memref_slice %arg3[%run_scoped3A, %add3A, %dma_wait3A_657, %dma_wait3A_658] : memref<4x32x7x112xi32, #tpu.memory_space<hbm>> -> memref<1x1x7x112xi32, #tpu.memory_space<hbm>>
      %dma_wait3A_660 = tpu.memref_squeeze %dma_wait3A_659 : memref<1x1x7x112xi32, #tpu.memory_space<hbm>> -> memref<7x112xi32, #tpu.memory_space<hbm>>
      tpu.wait_dma2 semaphore(%run_scoped3A_628 : memref<!tpu.dma_semaphore, #tpu.memory_space<semaphore_mem>>) src(%dma_wait3A_660 : memref<7x112xi32, #tpu.memory_space<hbm>>) dst(%dma_wait3A_656 : memref<7x112xi32, #tpu.memory_space<vmem>>)
      tpu.yield
    }) : () -> ()
    %run_scoped3A_2 = arith.constant 1 : i32
    %run_scoped3A_3 = arith.constant 1 : i32
    "tpu.region"() ({
      %run_scoped3A_628 = tpu.sem_alloc : memref<!tpu.dma_semaphore, #tpu.memory_space<semaphore_mem>>
      %dma_start3A_629 = arith.constant 0 : i32
      %dma_start3A_630 = arith.constant 0 : i32
      %dma_start3A_631 = tpu.memref_slice %arg6[%run_scoped3A_3, %dma_start3A_629, %dma_start3A_630] : memref<4x7x112xi32, #tpu.memory_space<vmem>> -> memref<1x7x112xi32, #tpu.memory_space<vmem>>
      %dma_start3A_632 = tpu.memref_squeeze %dma_start3A_631 : memref<1x7x112xi32, #tpu.memory_space<vmem>> -> memref<7x112xi32, #tpu.memory_space<vmem>>
      %dma_start3A_633 = arith.constant 0 : i32
      %dma_start3A_634 = arith.constant 0 : i32
      %dma_start3A_635 = tpu.memref_slice %arg3[%run_scoped3A_2, %add3A, %dma_start3A_633, %dma_start3A_634] : memref<4x32x7x112xi32, #tpu.memory_space<hbm>> -> memref<1x1x7x112xi32, #tpu.memory_space<hbm>>
      %dma_start3A_636 = tpu.memref_squeeze %dma_start3A_635 : memref<1x1x7x112xi32, #tpu.memory_space<hbm>> -> memref<7x112xi32, #tpu.memory_space<hbm>>
      %dma_start3A_637 = arith.constant 0 : i32
      %dma_start3A_638 = arith.constant 0 : i32
      %dma_start3A_639 = tpu.memref_slice %arg6[%run_scoped3A_3, %dma_start3A_637, %dma_start3A_638] : memref<4x7x112xi32, #tpu.memory_space<vmem>> -> memref<1x7x112xi32, #tpu.memory_space<vmem>>
      %dma_start3A_640 = tpu.memref_squeeze %dma_start3A_639 : memref<1x7x112xi32, #tpu.memory_space<vmem>> -> memref<7x112xi32, #tpu.memory_space<vmem>>
      %dma_start3A_641 = arith.constant 0 : i32
      %dma_start3A_642 = arith.constant 0 : i32
      %dma_start3A_643 = tpu.memref_slice %arg3[%run_scoped3A_2, %add3A, %dma_start3A_641, %dma_start3A_642] : memref<4x32x7x112xi32, #tpu.memory_space<hbm>> -> memref<1x1x7x112xi32, #tpu.memory_space<hbm>>
      %dma_start3A_644 = tpu.memref_squeeze %dma_start3A_643 : memref<1x1x7x112xi32, #tpu.memory_space<hbm>> -> memref<7x112xi32, #tpu.memory_space<hbm>>
      tpu.enqueue_dma source(%dma_start3A_644 : memref<7x112xi32, #tpu.memory_space<hbm>>) target(%dma_start3A_640 : memref<7x112xi32, #tpu.memory_space<vmem>>) target_semaphore(%run_scoped3A_628 : memref<!tpu.dma_semaphore, #tpu.memory_space<semaphore_mem>>)
      %dma_wait3A_645 = arith.constant 0 : i32
      %dma_wait3A_646 = arith.constant 0 : i32
      %dma_wait3A_647 = tpu.memref_slice %arg6[%run_scoped3A_3, %dma_wait3A_645, %dma_wait3A_646] : memref<4x7x112xi32, #tpu.memory_space<vmem>> -> memref<1x7x112xi32, #tpu.memory_space<vmem>>
      %dma_wait3A_648 = tpu.memref_squeeze %dma_wait3A_647 : memref<1x7x112xi32, #tpu.memory_space<vmem>> -> memref<7x112xi32, #tpu.memory_space<vmem>>
      %dma_wait3A_649 = arith.constant 0 : i32
      %dma_wait3A_650 = arith.constant 0 : i32
      %dma_wait3A_651 = tpu.memref_slice %arg3[%run_scoped3A_2, %add3A, %dma_wait3A_649, %dma_wait3A_650] : memref<4x32x7x112xi32, #tpu.memory_space<hbm>> -> memref<1x1x7x112xi32, #tpu.memory_space<hbm>>
      %dma_wait3A_652 = tpu.memref_squeeze %dma_wait3A_651 : memref<1x1x7x112xi32, #tpu.memory_space<hbm>> -> memref<7x112xi32, #tpu.memory_space<hbm>>
      %dma_wait3A_653 = arith.constant 0 : i32
      %dma_wait3A_654 = arith.constant 0 : i32
      %dma_wait3A_655 = tpu.memref_slice %arg6[%run_scoped3A_3, %dma_wait3A_653, %dma_wait3A_654] : memref<4x7x112xi32, #tpu.memory_space<vmem>> -> memref<1x7x112xi32, #tpu.memory_space<vmem>>
      %dma_wait3A_656 = tpu.memref_squeeze %dma_wait3A_655 : memref<1x7x112xi32, #tpu.memory_space<vmem>> -> memref<7x112xi32, #tpu.memory_space<vmem>>
      %dma_wait3A_657 = arith.constant 0 : i32
      %dma_wait3A_658 = arith.constant 0 : i32
      %dma_wait3A_659 = tpu.memref_slice %arg3[%run_scoped3A_2, %add3A, %dma_wait3A_657, %dma_wait3A_658] : memref<4x32x7x112xi32, #tpu.memory_space<hbm>> -> memref<1x1x7x112xi32, #tpu.memory_space<hbm>>
      %dma_wait3A_660 = tpu.memref_squeeze %dma_wait3A_659 : memref<1x1x7x112xi32, #tpu.memory_space<hbm>> -> memref<7x112xi32, #tpu.memory_space<hbm>>
      tpu.wait_dma2 semaphore(%run_scoped3A_628 : memref<!tpu.dma_semaphore, #tpu.memory_space<semaphore_mem>>) src(%dma_wait3A_660 : memref<7x112xi32, #tpu.memory_space<hbm>>) dst(%dma_wait3A_656 : memref<7x112xi32, #tpu.memory_space<vmem>>)
      tpu.yield
    }) : () -> ()
    %run_scoped3A_4 = arith.constant 2 : i32
    %run_scoped3A_5 = arith.constant 2 : i32
    "tpu.region"() ({
      %run_scoped3A_628 = tpu.sem_alloc : memref<!tpu.dma_semaphore, #tpu.memory_space<semaphore_mem>>
      %dma_start3A_629 = arith.constant 0 : i32
      %dma_start3A_630 = arith.constant 0 : i32
      %dma_start3A_631 = tpu.memref_slice %arg6[%run_scoped3A_5, %dma_start3A_629, %dma_start3A_630] : memref<4x7x112xi32, #tpu.memory_space<vmem>> -> memref<1x7x112xi32, #tpu.memory_space<vmem>>
      %dma_start3A_632 = tpu.memref_squeeze %dma_start3A_631 : memref<1x7x112xi32, #tpu.memory_space<vmem>> -> memref<7x112xi32, #tpu.memory_space<vmem>>
      %dma_start3A_633 = arith.constant 0 : i32
      %dma_start3A_634 = arith.constant 0 : i32
      %dma_start3A_635 = tpu.memref_slice %arg3[%run_scoped3A_4, %add3A, %dma_start3A_633, %dma_start3A_634] : memref<4x32x7x112xi32, #tpu.memory_space<hbm>> -> memref<1x1x7x112xi32, #tpu.memory_space<hbm>>
      %dma_start3A_636 = tpu.memref_squeeze %dma_start3A_635 : memref<1x1x7x112xi32, #tpu.memory_space<hbm>> -> memref<7x112xi32, #tpu.memory_space<hbm>>
      %dma_start3A_637 = arith.constant 0 : i32
      %dma_start3A_638 = arith.constant 0 : i32
      %dma_start3A_639 = tpu.memref_slice %arg6[%run_scoped3A_5, %dma_start3A_637, %dma_start3A_638] : memref<4x7x112xi32, #tpu.memory_space<vmem>> -> memref<1x7x112xi32, #tpu.memory_space<vmem>>
      %dma_start3A_640 = tpu.memref_squeeze %dma_start3A_639 : memref<1x7x112xi32, #tpu.memory_space<vmem>> -> memref<7x112xi32, #tpu.memory_space<vmem>>
      %dma_start3A_641 = arith.constant 0 : i32
      %dma_start3A_642 = arith.constant 0 : i32
      %dma_start3A_643 = tpu.memref_slice %arg3[%run_scoped3A_4, %add3A, %dma_start3A_641, %dma_start3A_642] : memref<4x32x7x112xi32, #tpu.memory_space<hbm>> -> memref<1x1x7x112xi32, #tpu.memory_space<hbm>>
      %dma_start3A_644 = tpu.memref_squeeze %dma_start3A_643 : memref<1x1x7x112xi32, #tpu.memory_space<hbm>> -> memref<7x112xi32, #tpu.memory_space<hbm>>
      tpu.enqueue_dma source(%dma_start3A_644 : memref<7x112xi32, #tpu.memory_space<hbm>>) target(%dma_start3A_640 : memref<7x112xi32, #tpu.memory_space<vmem>>) target_semaphore(%run_scoped3A_628 : memref<!tpu.dma_semaphore, #tpu.memory_space<semaphore_mem>>)
      %dma_wait3A_645 = arith.constant 0 : i32
      %dma_wait3A_646 = arith.constant 0 : i32
      %dma_wait3A_647 = tpu.memref_slice %arg6[%run_scoped3A_5, %dma_wait3A_645, %dma_wait3A_646] : memref<4x7x112xi32, #tpu.memory_space<vmem>> -> memref<1x7x112xi32, #tpu.memory_space<vmem>>
      %dma_wait3A_648 = tpu.memref_squeeze %dma_wait3A_647 : memref<1x7x112xi32, #tpu.memory_space<vmem>> -> memref<7x112xi32, #tpu.memory_space<vmem>>
      %dma_wait3A_649 = arith.constant 0 : i32
      %dma_wait3A_650 = arith.constant 0 : i32
      %dma_wait3A_651 = tpu.memref_slice %arg3[%run_scoped3A_4, %add3A, %dma_wait3A_649, %dma_wait3A_650] : memref<4x32x7x112xi32, #tpu.memory_space<hbm>> -> memref<1x1x7x112xi32, #tpu.memory_space<hbm>>
      %dma_wait3A_652 = tpu.memref_squeeze %dma_wait3A_651 : memref<1x1x7x112xi32, #tpu.memory_space<hbm>> -> memref<7x112xi32, #tpu.memory_space<hbm>>
      %dma_wait3A_653 = arith.constant 0 : i32
      %dma_wait3A_654 = arith.constant 0 : i32
      %dma_wait3A_655 = tpu.memref_slice %arg6[%run_scoped3A_5, %dma_wait3A_653, %dma_wait3A_654] : memref<4x7x112xi32, #tpu.memory_space<vmem>> -> memref<1x7x112xi32, #tpu.memory_space<vmem>>
      %dma_wait3A_656 = tpu.memref_squeeze %dma_wait3A_655 : memref<1x7x112xi32, #tpu.memory_space<vmem>> -> memref<7x112xi32, #tpu.memory_space<vmem>>
      %dma_wait3A_657 = arith.constant 0 : i32
      %dma_wait3A_658 = arith.constant 0 : i32
      %dma_wait3A_659 = tpu.memref_slice %arg3[%run_scoped3A_4, %add3A, %dma_wait3A_657, %dma_wait3A_658] : memref<4x32x7x112xi32, #tpu.memory_space<hbm>> -> memref<1x1x7x112xi32, #tpu.memory_space<hbm>>
      %dma_wait3A_660 = tpu.memref_squeeze %dma_wait3A_659 : memref<1x1x7x112xi32, #tpu.memory_space<hbm>> -> memref<7x112xi32, #tpu.memory_space<hbm>>
      tpu.wait_dma2 semaphore(%run_scoped3A_628 : memref<!tpu.dma_semaphore, #tpu.memory_space<semaphore_mem>>) src(%dma_wait3A_660 : memref<7x112xi32, #tpu.memory_space<hbm>>) dst(%dma_wait3A_656 : memref<7x112xi32, #tpu.memory_space<vmem>>)
      tpu.yield
    }) : () -> ()
    %run_scoped3A_6 = arith.constant 3 : i32
    %run_scoped3A_7 = arith.constant 3 : i32
    "tpu.region"() ({
      %run_scoped3A_628 = tpu.sem_alloc : memref<!tpu.dma_semaphore, #tpu.memory_space<semaphore_mem>>
      %dma_start3A_629 = arith.constant 0 : i32
      %dma_start3A_630 = arith.constant 0 : i32
      %dma_start3A_631 = tpu.memref_slice %arg6[%run_scoped3A_7, %dma_start3A_629, %dma_start3A_630] : memref<4x7x112xi32, #tpu.memory_space<vmem>> -> memref<1x7x112xi32, #tpu.memory_space<vmem>>
      %dma_start3A_632 = tpu.memref_squeeze %dma_start3A_631 : memref<1x7x112xi32, #tpu.memory_space<vmem>> -> memref<7x112xi32, #tpu.memory_space<vmem>>
      %dma_start3A_633 = arith.constant 0 : i32
      %dma_start3A_634 = arith.constant 0 : i32
      %dma_start3A_635 = tpu.memref_slice %arg3[%run_scoped3A_6, %add3A, %dma_start3A_633, %dma_start3A_634] : memref<4x32x7x112xi32, #tpu.memory_space<hbm>> -> memref<1x1x7x112xi32, #tpu.memory_space<hbm>>
      %dma_start3A_636 = tpu.memref_squeeze %dma_start3A_635 : memref<1x1x7x112xi32, #tpu.memory_space<hbm>> -> memref<7x112xi32, #tpu.memory_space<hbm>>
      %dma_start3A_637 = arith.constant 0 : i32
      %dma_start3A_638 = arith.constant 0 : i32
      %dma_start3A_639 = tpu.memref_slice %arg6[%run_scoped3A_7, %dma_start3A_637, %dma_start3A_638] : memref<4x7x112xi32, #tpu.memory_space<vmem>> -> memref<1x7x112xi32, #tpu.memory_space<vmem>>
      %dma_start3A_640 = tpu.memref_squeeze %dma_start3A_639 : memref<1x7x112xi32, #tpu.memory_space<vmem>> -> memref<7x112xi32, #tpu.memory_space<vmem>>
      %dma_start3A_641 = arith.constant 0 : i32
      %dma_start3A_642 = arith.constant 0 : i32
      %dma_start3A_643 = tpu.memref_slice %arg3[%run_scoped3A_6, %add3A, %dma_start3A_641, %dma_start3A_642] : memref<4x32x7x112xi32, #tpu.memory_space<hbm>> -> memref<1x1x7x112xi32, #tpu.memory_space<hbm>>
      %dma_start3A_644 = tpu.memref_squeeze %dma_start3A_643 : memref<1x1x7x112xi32, #tpu.memory_space<hbm>> -> memref<7x112xi32, #tpu.memory_space<hbm>>
      tpu.enqueue_dma source(%dma_start3A_644 : memref<7x112xi32, #tpu.memory_space<hbm>>) target(%dma_start3A_640 : memref<7x112xi32, #tpu.memory_space<vmem>>) target_semaphore(%run_scoped3A_628 : memref<!tpu.dma_semaphore, #tpu.memory_space<semaphore_mem>>)
      %dma_wait3A_645 = arith.constant 0 : i32
      %dma_wait3A_646 = arith.constant 0 : i32
      %dma_wait3A_647 = tpu.memref_slice %arg6[%run_scoped3A_7, %dma_wait3A_645, %dma_wait3A_646] : memref<4x7x112xi32, #tpu.memory_space<vmem>> -> memref<1x7x112xi32, #tpu.memory_space<vmem>>
      %dma_wait3A_648 = tpu.memref_squeeze %dma_wait3A_647 : memref<1x7x112xi32, #tpu.memory_space<vmem>> -> memref<7x112xi32, #tpu.memory_space<vmem>>
      %dma_wait3A_649 = arith.constant 0 : i32
      %dma_wait3A_650 = arith.constant 0 : i32
      %dma_wait3A_651 = tpu.memref_slice %arg3[%run_scoped3A_6, %add3A, %dma_wait3A_649, %dma_wait3A_650] : memref<4x32x7x112xi32, #tpu.memory_space<hbm>> -> memref<1x1x7x112xi32, #tpu.memory_space<hbm>>
      %dma_wait3A_652 = tpu.memref_squeeze %dma_wait3A_651 : memref<1x1x7x112xi32, #tpu.memory_space<hbm>> -> memref<7x112xi32, #tpu.memory_space<hbm>>
      %dma_wait3A_653 = arith.constant 0 : i32
      %dma_wait3A_654 = arith.constant 0 : i32
      %dma_wait3A_655 = tpu.memref_slice %arg6[%run_scoped3A_7, %dma_wait3A_653, %dma_wait3A_654] : memref<4x7x112xi32, #tpu.memory_space<vmem>> -> memref<1x7x112xi32, #tpu.memory_space<vmem>>
      %dma_wait3A_656 = tpu.memref_squeeze %dma_wait3A_655 : memref<1x7x112xi32, #tpu.memory_space<vmem>> -> memref<7x112xi32, #tpu.memory_space<vmem>>
      %dma_wait3A_657 = arith.constant 0 : i32
      %dma_wait3A_658 = arith.constant 0 : i32
      %dma_wait3A_659 = tpu.memref_slice %arg3[%run_scoped3A_6, %add3A, %dma_wait3A_657, %dma_wait3A_658] : memref<4x32x7x112xi32, #tpu.memory_space<hbm>> -> memref<1x1x7x112xi32, #tpu.memory_space<hbm>>
      %dma_wait3A_660 = tpu.memref_squeeze %dma_wait3A_659 : memref<1x1x7x112xi32, #tpu.memory_space<hbm>> -> memref<7x112xi32, #tpu.memory_space<hbm>>
      tpu.wait_dma2 semaphore(%run_scoped3A_628 : memref<!tpu.dma_semaphore, #tpu.memory_space<semaphore_mem>>) src(%dma_wait3A_660 : memref<7x112xi32, #tpu.memory_space<hbm>>) dst(%dma_wait3A_656 : memref<7x112xi32, #tpu.memory_space<vmem>>)
      tpu.yield
    }) : () -> ()
    "tpu.region"() ({
      %run_scoped3A_628 = tpu.sem_alloc : memref<!tpu.dma_semaphore, #tpu.memory_space<semaphore_mem>>
      %dma_start3A_629 = arith.constant 0 : i32
      %dma_start3A_630 = tpu.memref_slice %arg4[%add3A, %dma_start3A_629] : memref<32x784xf32, #tpu.memory_space<hbm>> -> memref<1x784xf32, #tpu.memory_space<hbm>>
      %dma_start3A_631 = tpu.memref_squeeze %dma_start3A_630 : memref<1x784xf32, #tpu.memory_space<hbm>> -> memref<784xf32, #tpu.memory_space<hbm>>
      %dma_start3A_632 = arith.constant 0 : i32
      %dma_start3A_633 = tpu.memref_slice %arg4[%add3A, %dma_start3A_632] : memref<32x784xf32, #tpu.memory_space<hbm>> -> memref<1x784xf32, #tpu.memory_space<hbm>>
      %dma_start3A_634 = tpu.memref_squeeze %dma_start3A_633 : memref<1x784xf32, #tpu.memory_space<hbm>> -> memref<784xf32, #tpu.memory_space<hbm>>
      tpu.enqueue_dma source(%dma_start3A_634 : memref<784xf32, #tpu.memory_space<hbm>>) target(%arg7 : memref<784xf32, #tpu.memory_space<vmem>>) target_semaphore(%run_scoped3A_628 : memref<!tpu.dma_semaphore, #tpu.memory_space<semaphore_mem>>)
      %dma_wait3A_635 = arith.constant 0 : i32
      %dma_wait3A_636 = tpu.memref_slice %arg4[%add3A, %dma_wait3A_635] : memref<32x784xf32, #tpu.memory_space<hbm>> -> memref<1x784xf32, #tpu.memory_space<hbm>>
      %dma_wait3A_637 = tpu.memref_squeeze %dma_wait3A_636 : memref<1x784xf32, #tpu.memory_space<hbm>> -> memref<784xf32, #tpu.memory_space<hbm>>
      %dma_wait3A_638 = arith.constant 0 : i32
      %dma_wait3A_639 = tpu.memref_slice %arg4[%add3A, %dma_wait3A_638] : memref<32x784xf32, #tpu.memory_space<hbm>> -> memref<1x784xf32, #tpu.memory_space<hbm>>
      %dma_wait3A_640 = tpu.memref_squeeze %dma_wait3A_639 : memref<1x784xf32, #tpu.memory_space<hbm>> -> memref<784xf32, #tpu.memory_space<hbm>>
      tpu.wait_dma2 semaphore(%run_scoped3A_628 : memref<!tpu.dma_semaphore, #tpu.memory_space<semaphore_mem>>) src(%dma_wait3A_640 : memref<784xf32, #tpu.memory_space<hbm>>) dst(%arg7 : memref<784xf32, #tpu.memory_space<vmem>>)
      tpu.yield
    }) : () -> ()
    %dma_start3A = arith.constant 0 : i32
    %dma_start3A_8 = arith.constant 0 : i32
    %dma_start3A_9 = arith.constant 0 : i32
    %dma_start3A_10 = arith.constant 0 : i32
    %dma_start3A_11 = tpu.memref_slice %arg8[%dma_start3A_9, %dma_start3A_10] : memref<784x16xf32, #tpu.memory_space<vmem>> -> memref<112x16xf32, #tpu.memory_space<vmem>>
    %dma_start3A_12 = arith.constant 0 : i32
    %dma_start3A_13 = tpu.memref_slice %arg6[%dma_start3A, %dma_start3A_8, %dma_start3A_12] : memref<4x7x112xi32, #tpu.memory_space<vmem>> -> memref<1x1x112xi32, #tpu.memory_space<vmem>>
    %dma_start3A_14 = tpu.memref_squeeze %dma_start3A_13 : memref<1x1x112xi32, #tpu.memory_space<vmem>> -> memref<112xi32, #tpu.memory_space<vmem>>
    %dma_start3A_15 = arith.constant 0 : i32
    %dma_start3A_16 = arith.constant 0 : i32
    %dma_start3A_17 = tpu.memref_slice %arg2[%dma_start3A_15, %dma_start3A_16] : memref<414050x16xf32, #tpu.memory_space<hbm>> -> memref<414050x16xf32, #tpu.memory_space<hbm>>
    tpu.enqueue_indirect_dma source(%dma_start3A_17 : memref<414050x16xf32, #tpu.memory_space<hbm>>) target(%dma_start3A_11 : memref<112x16xf32, #tpu.memory_space<vmem>>) offsets(%dma_start3A_14 : memref<112xi32, #tpu.memory_space<vmem>>) semaphore(%arg13 : memref<!tpu.dma_semaphore, #tpu.memory_space<semaphore_mem>>)
    %dma_start3A_18 = arith.constant 0 : i32
    %dma_start3A_19 = arith.constant 1 : i32
    %dma_start3A_20 = arith.constant 112 : i32
    %dma_start3A_21 = arith.constant 0 : i32
    %dma_start3A_22 = tpu.memref_slice %arg8[%dma_start3A_20, %dma_start3A_21] : memref<784x16xf32, #tpu.memory_space<vmem>> -> memref<112x16xf32, #tpu.memory_space<vmem>>
    %dma_start3A_23 = arith.constant 0 : i32
    %dma_start3A_24 = tpu.memref_slice %arg6[%dma_start3A_18, %dma_start3A_19, %dma_start3A_23] : memref<4x7x112xi32, #tpu.memory_space<vmem>> -> memref<1x1x112xi32, #tpu.memory_space<vmem>>
    %dma_start3A_25 = tpu.memref_squeeze %dma_start3A_24 : memref<1x1x112xi32, #tpu.memory_space<vmem>> -> memref<112xi32, #tpu.memory_space<vmem>>
    %dma_start3A_26 = arith.constant 0 : i32
    %dma_start3A_27 = arith.constant 0 : i32
    %dma_start3A_28 = tpu.memref_slice %arg2[%dma_start3A_26, %dma_start3A_27] : memref<414050x16xf32, #tpu.memory_space<hbm>> -> memref<414050x16xf32, #tpu.memory_space<hbm>>
    tpu.enqueue_indirect_dma source(%dma_start3A_28 : memref<414050x16xf32, #tpu.memory_space<hbm>>) target(%dma_start3A_22 : memref<112x16xf32, #tpu.memory_space<vmem>>) offsets(%dma_start3A_25 : memref<112xi32, #tpu.memory_space<vmem>>) semaphore(%arg13 : memref<!tpu.dma_semaphore, #tpu.memory_space<semaphore_mem>>)
    %dma_start3A_29 = arith.constant 0 : i32
    %dma_start3A_30 = arith.constant 2 : i32
    %dma_start3A_31 = arith.constant 224 : i32
    %dma_start3A_32 = arith.constant 0 : i32
    %dma_start3A_33 = tpu.memref_slice %arg8[%dma_start3A_31, %dma_start3A_32] : memref<784x16xf32, #tpu.memory_space<vmem>> -> memref<112x16xf32, #tpu.memory_space<vmem>>
    %dma_start3A_34 = arith.constant 0 : i32
    %dma_start3A_35 = tpu.memref_slice %arg6[%dma_start3A_29, %dma_start3A_30, %dma_start3A_34] : memref<4x7x112xi32, #tpu.memory_space<vmem>> -> memref<1x1x112xi32, #tpu.memory_space<vmem>>
    %dma_start3A_36 = tpu.memref_squeeze %dma_start3A_35 : memref<1x1x112xi32, #tpu.memory_space<vmem>> -> memref<112xi32, #tpu.memory_space<vmem>>
    %dma_start3A_37 = arith.constant 0 : i32
    %dma_start3A_38 = arith.constant 0 : i32
    %dma_start3A_39 = tpu.memref_slice %arg2[%dma_start3A_37, %dma_start3A_38] : memref<414050x16xf32, #tpu.memory_space<hbm>> -> memref<414050x16xf32, #tpu.memory_space<hbm>>
    tpu.enqueue_indirect_dma source(%dma_start3A_39 : memref<414050x16xf32, #tpu.memory_space<hbm>>) target(%dma_start3A_33 : memref<112x16xf32, #tpu.memory_space<vmem>>) offsets(%dma_start3A_36 : memref<112xi32, #tpu.memory_space<vmem>>) semaphore(%arg13 : memref<!tpu.dma_semaphore, #tpu.memory_space<semaphore_mem>>)
    %dma_start3A_40 = arith.constant 0 : i32
    %dma_start3A_41 = arith.constant 3 : i32
    %dma_start3A_42 = arith.constant 336 : i32
    %dma_start3A_43 = arith.constant 0 : i32
    %dma_start3A_44 = tpu.memref_slice %arg8[%dma_start3A_42, %dma_start3A_43] : memref<784x16xf32, #tpu.memory_space<vmem>> -> memref<112x16xf32, #tpu.memory_space<vmem>>
    %dma_start3A_45 = arith.constant 0 : i32
    %dma_start3A_46 = tpu.memref_slice %arg6[%dma_start3A_40, %dma_start3A_41, %dma_start3A_45] : memref<4x7x112xi32, #tpu.memory_space<vmem>> -> memref<1x1x112xi32, #tpu.memory_space<vmem>>
    %dma_start3A_47 = tpu.memref_squeeze %dma_start3A_46 : memref<1x1x112xi32, #tpu.memory_space<vmem>> -> memref<112xi32, #tpu.memory_space<vmem>>
    %dma_start3A_48 = arith.constant 0 : i32
    %dma_start3A_49 = arith.constant 0 : i32
    %dma_start3A_50 = tpu.memref_slice %arg2[%dma_start3A_48, %dma_start3A_49] : memref<414050x16xf32, #tpu.memory_space<hbm>> -> memref<414050x16xf32, #tpu.memory_space<hbm>>
    tpu.enqueue_indirect_dma source(%dma_start3A_50 : memref<414050x16xf32, #tpu.memory_space<hbm>>) target(%dma_start3A_44 : memref<112x16xf32, #tpu.memory_space<vmem>>) offsets(%dma_start3A_47 : memref<112xi32, #tpu.memory_space<vmem>>) semaphore(%arg13 : memref<!tpu.dma_semaphore, #tpu.memory_space<semaphore_mem>>)
    %dma_start3A_51 = arith.constant 0 : i32
    %dma_start3A_52 = arith.constant 4 : i32
    %dma_start3A_53 = arith.constant 448 : i32
    %dma_start3A_54 = arith.constant 0 : i32
    %dma_start3A_55 = tpu.memref_slice %arg8[%dma_start3A_53, %dma_start3A_54] : memref<784x16xf32, #tpu.memory_space<vmem>> -> memref<112x16xf32, #tpu.memory_space<vmem>>
    %dma_start3A_56 = arith.constant 0 : i32
    %dma_start3A_57 = tpu.memref_slice %arg6[%dma_start3A_51, %dma_start3A_52, %dma_start3A_56] : memref<4x7x112xi32, #tpu.memory_space<vmem>> -> memref<1x1x112xi32, #tpu.memory_space<vmem>>
    %dma_start3A_58 = tpu.memref_squeeze %dma_start3A_57 : memref<1x1x112xi32, #tpu.memory_space<vmem>> -> memref<112xi32, #tpu.memory_space<vmem>>
    %dma_start3A_59 = arith.constant 0 : i32
    %dma_start3A_60 = arith.constant 0 : i32
    %dma_start3A_61 = tpu.memref_slice %arg2[%dma_start3A_59, %dma_start3A_60] : memref<414050x16xf32, #tpu.memory_space<hbm>> -> memref<414050x16xf32, #tpu.memory_space<hbm>>
    tpu.enqueue_indirect_dma source(%dma_start3A_61 : memref<414050x16xf32, #tpu.memory_space<hbm>>) target(%dma_start3A_55 : memref<112x16xf32, #tpu.memory_space<vmem>>) offsets(%dma_start3A_58 : memref<112xi32, #tpu.memory_space<vmem>>) semaphore(%arg13 : memref<!tpu.dma_semaphore, #tpu.memory_space<semaphore_mem>>)
    %dma_start3A_62 = arith.constant 0 : i32
    %dma_start3A_63 = arith.constant 5 : i32
    %dma_start3A_64 = arith.constant 560 : i32
    %dma_start3A_65 = arith.constant 0 : i32
    %dma_start3A_66 = tpu.memref_slice %arg8[%dma_start3A_64, %dma_start3A_65] : memref<784x16xf32, #tpu.memory_space<vmem>> -> memref<112x16xf32, #tpu.memory_space<vmem>>
    %dma_start3A_67 = arith.constant 0 : i32
    %dma_start3A_68 = tpu.memref_slice %arg6[%dma_start3A_62, %dma_start3A_63, %dma_start3A_67] : memref<4x7x112xi32, #tpu.memory_space<vmem>> -> memref<1x1x112xi32, #tpu.memory_space<vmem>>
    %dma_start3A_69 = tpu.memref_squeeze %dma_start3A_68 : memref<1x1x112xi32, #tpu.memory_space<vmem>> -> memref<112xi32, #tpu.memory_space<vmem>>
    %dma_start3A_70 = arith.constant 0 : i32
    %dma_start3A_71 = arith.constant 0 : i32
    %dma_start3A_72 = tpu.memref_slice %arg2[%dma_start3A_70, %dma_start3A_71] : memref<414050x16xf32, #tpu.memory_space<hbm>> -> memref<414050x16xf32, #tpu.memory_space<hbm>>
    tpu.enqueue_indirect_dma source(%dma_start3A_72 : memref<414050x16xf32, #tpu.memory_space<hbm>>) target(%dma_start3A_66 : memref<112x16xf32, #tpu.memory_space<vmem>>) offsets(%dma_start3A_69 : memref<112xi32, #tpu.memory_space<vmem>>) semaphore(%arg13 : memref<!tpu.dma_semaphore, #tpu.memory_space<semaphore_mem>>)
    %dma_start3A_73 = arith.constant 0 : i32
    %dma_start3A_74 = arith.constant 6 : i32
    %dma_start3A_75 = arith.constant 672 : i32
    %dma_start3A_76 = arith.constant 0 : i32
    %dma_start3A_77 = tpu.memref_slice %arg8[%dma_start3A_75, %dma_start3A_76] : memref<784x16xf32, #tpu.memory_space<vmem>> -> memref<112x16xf32, #tpu.memory_space<vmem>>
    %dma_start3A_78 = arith.constant 0 : i32
    %dma_start3A_79 = tpu.memref_slice %arg6[%dma_start3A_73, %dma_start3A_74, %dma_start3A_78] : memref<4x7x112xi32, #tpu.memory_space<vmem>> -> memref<1x1x112xi32, #tpu.memory_space<vmem>>
    %dma_start3A_80 = tpu.memref_squeeze %dma_start3A_79 : memref<1x1x112xi32, #tpu.memory_space<vmem>> -> memref<112xi32, #tpu.memory_space<vmem>>
    %dma_start3A_81 = arith.constant 0 : i32
    %dma_start3A_82 = arith.constant 0 : i32
    %dma_start3A_83 = tpu.memref_slice %arg2[%dma_start3A_81, %dma_start3A_82] : memref<414050x16xf32, #tpu.memory_space<hbm>> -> memref<414050x16xf32, #tpu.memory_space<hbm>>
    tpu.enqueue_indirect_dma source(%dma_start3A_83 : memref<414050x16xf32, #tpu.memory_space<hbm>>) target(%dma_start3A_77 : memref<112x16xf32, #tpu.memory_space<vmem>>) offsets(%dma_start3A_80 : memref<112xi32, #tpu.memory_space<vmem>>) semaphore(%arg13 : memref<!tpu.dma_semaphore, #tpu.memory_space<semaphore_mem>>)
    %dma_start3A_84 = arith.constant 1 : i32
    %dma_start3A_85 = arith.constant 0 : i32
    %dma_start3A_86 = arith.constant 0 : i32
    %dma_start3A_87 = arith.constant 0 : i32
    %dma_start3A_88 = tpu.memref_slice %arg9[%dma_start3A_86, %dma_start3A_87] : memref<784x16xf32, #tpu.memory_space<vmem>> -> memref<112x16xf32, #tpu.memory_space<vmem>>
    %dma_start3A_89 = arith.constant 0 : i32
    %dma_start3A_90 = tpu.memref_slice %arg6[%dma_start3A_84, %dma_start3A_85, %dma_start3A_89] : memref<4x7x112xi32, #tpu.memory_space<vmem>> -> memref<1x1x112xi32, #tpu.memory_space<vmem>>
    %dma_start3A_91 = tpu.memref_squeeze %dma_start3A_90 : memref<1x1x112xi32, #tpu.memory_space<vmem>> -> memref<112xi32, #tpu.memory_space<vmem>>
    %dma_start3A_92 = arith.constant 0 : i32
    %dma_start3A_93 = arith.constant 0 : i32
    %dma_start3A_94 = tpu.memref_slice %arg2[%dma_start3A_92, %dma_start3A_93] : memref<414050x16xf32, #tpu.memory_space<hbm>> -> memref<414050x16xf32, #tpu.memory_space<hbm>>
    tpu.enqueue_indirect_dma source(%dma_start3A_94 : memref<414050x16xf32, #tpu.memory_space<hbm>>) target(%dma_start3A_88 : memref<112x16xf32, #tpu.memory_space<vmem>>) offsets(%dma_start3A_91 : memref<112xi32, #tpu.memory_space<vmem>>) semaphore(%arg13 : memref<!tpu.dma_semaphore, #tpu.memory_space<semaphore_mem>>)
    %dma_start3A_95 = arith.constant 1 : i32
    %dma_start3A_96 = arith.constant 1 : i32
    %dma_start3A_97 = arith.constant 112 : i32
    %dma_start3A_98 = arith.constant 0 : i32
    %dma_start3A_99 = tpu.memref_slice %arg9[%dma_start3A_97, %dma_start3A_98] : memref<784x16xf32, #tpu.memory_space<vmem>> -> memref<112x16xf32, #tpu.memory_space<vmem>>
    %dma_start3A_100 = arith.constant 0 : i32
    %dma_start3A_101 = tpu.memref_slice %arg6[%dma_start3A_95, %dma_start3A_96, %dma_start3A_100] : memref<4x7x112xi32, #tpu.memory_space<vmem>> -> memref<1x1x112xi32, #tpu.memory_space<vmem>>
    %dma_start3A_102 = tpu.memref_squeeze %dma_start3A_101 : memref<1x1x112xi32, #tpu.memory_space<vmem>> -> memref<112xi32, #tpu.memory_space<vmem>>
    %dma_start3A_103 = arith.constant 0 : i32
    %dma_start3A_104 = arith.constant 0 : i32
    %dma_start3A_105 = tpu.memref_slice %arg2[%dma_start3A_103, %dma_start3A_104] : memref<414050x16xf32, #tpu.memory_space<hbm>> -> memref<414050x16xf32, #tpu.memory_space<hbm>>
    tpu.enqueue_indirect_dma source(%dma_start3A_105 : memref<414050x16xf32, #tpu.memory_space<hbm>>) target(%dma_start3A_99 : memref<112x16xf32, #tpu.memory_space<vmem>>) offsets(%dma_start3A_102 : memref<112xi32, #tpu.memory_space<vmem>>) semaphore(%arg13 : memref<!tpu.dma_semaphore, #tpu.memory_space<semaphore_mem>>)
    %dma_start3A_106 = arith.constant 1 : i32
    %dma_start3A_107 = arith.constant 2 : i32
    %dma_start3A_108 = arith.constant 224 : i32
    %dma_start3A_109 = arith.constant 0 : i32
    %dma_start3A_110 = tpu.memref_slice %arg9[%dma_start3A_108, %dma_start3A_109] : memref<784x16xf32, #tpu.memory_space<vmem>> -> memref<112x16xf32, #tpu.memory_space<vmem>>
    %dma_start3A_111 = arith.constant 0 : i32
    %dma_start3A_112 = tpu.memref_slice %arg6[%dma_start3A_106, %dma_start3A_107, %dma_start3A_111] : memref<4x7x112xi32, #tpu.memory_space<vmem>> -> memref<1x1x112xi32, #tpu.memory_space<vmem>>
    %dma_start3A_113 = tpu.memref_squeeze %dma_start3A_112 : memref<1x1x112xi32, #tpu.memory_space<vmem>> -> memref<112xi32, #tpu.memory_space<vmem>>
    %dma_start3A_114 = arith.constant 0 : i32
    %dma_start3A_115 = arith.constant 0 : i32
    %dma_start3A_116 = tpu.memref_slice %arg2[%dma_start3A_114, %dma_start3A_115] : memref<414050x16xf32, #tpu.memory_space<hbm>> -> memref<414050x16xf32, #tpu.memory_space<hbm>>
    tpu.enqueue_indirect_dma source(%dma_start3A_116 : memref<414050x16xf32, #tpu.memory_space<hbm>>) target(%dma_start3A_110 : memref<112x16xf32, #tpu.memory_space<vmem>>) offsets(%dma_start3A_113 : memref<112xi32, #tpu.memory_space<vmem>>) semaphore(%arg13 : memref<!tpu.dma_semaphore, #tpu.memory_space<semaphore_mem>>)
    %dma_start3A_117 = arith.constant 1 : i32
    %dma_start3A_118 = arith.constant 3 : i32
    %dma_start3A_119 = arith.constant 336 : i32
    %dma_start3A_120 = arith.constant 0 : i32
    %dma_start3A_121 = tpu.memref_slice %arg9[%dma_start3A_119, %dma_start3A_120] : memref<784x16xf32, #tpu.memory_space<vmem>> -> memref<112x16xf32, #tpu.memory_space<vmem>>
    %dma_start3A_122 = arith.constant 0 : i32
    %dma_start3A_123 = tpu.memref_slice %arg6[%dma_start3A_117, %dma_start3A_118, %dma_start3A_122] : memref<4x7x112xi32, #tpu.memory_space<vmem>> -> memref<1x1x112xi32, #tpu.memory_space<vmem>>
    %dma_start3A_124 = tpu.memref_squeeze %dma_start3A_123 : memref<1x1x112xi32, #tpu.memory_space<vmem>> -> memref<112xi32, #tpu.memory_space<vmem>>
    %dma_start3A_125 = arith.constant 0 : i32
    %dma_start3A_126 = arith.constant 0 : i32
    %dma_start3A_127 = tpu.memref_slice %arg2[%dma_start3A_125, %dma_start3A_126] : memref<414050x16xf32, #tpu.memory_space<hbm>> -> memref<414050x16xf32, #tpu.memory_space<hbm>>
    tpu.enqueue_indirect_dma source(%dma_start3A_127 : memref<414050x16xf32, #tpu.memory_space<hbm>>) target(%dma_start3A_121 : memref<112x16xf32, #tpu.memory_space<vmem>>) offsets(%dma_start3A_124 : memref<112xi32, #tpu.memory_space<vmem>>) semaphore(%arg13 : memref<!tpu.dma_semaphore, #tpu.memory_space<semaphore_mem>>)
    %dma_start3A_128 = arith.constant 1 : i32
    %dma_start3A_129 = arith.constant 4 : i32
    %dma_start3A_130 = arith.constant 448 : i32
    %dma_start3A_131 = arith.constant 0 : i32
    %dma_start3A_132 = tpu.memref_slice %arg9[%dma_start3A_130, %dma_start3A_131] : memref<784x16xf32, #tpu.memory_space<vmem>> -> memref<112x16xf32, #tpu.memory_space<vmem>>
    %dma_start3A_133 = arith.constant 0 : i32
    %dma_start3A_134 = tpu.memref_slice %arg6[%dma_start3A_128, %dma_start3A_129, %dma_start3A_133] : memref<4x7x112xi32, #tpu.memory_space<vmem>> -> memref<1x1x112xi32, #tpu.memory_space<vmem>>
    %dma_start3A_135 = tpu.memref_squeeze %dma_start3A_134 : memref<1x1x112xi32, #tpu.memory_space<vmem>> -> memref<112xi32, #tpu.memory_space<vmem>>
    %dma_start3A_136 = arith.constant 0 : i32
    %dma_start3A_137 = arith.constant 0 : i32
    %dma_start3A_138 = tpu.memref_slice %arg2[%dma_start3A_136, %dma_start3A_137] : memref<414050x16xf32, #tpu.memory_space<hbm>> -> memref<414050x16xf32, #tpu.memory_space<hbm>>
    tpu.enqueue_indirect_dma source(%dma_start3A_138 : memref<414050x16xf32, #tpu.memory_space<hbm>>) target(%dma_start3A_132 : memref<112x16xf32, #tpu.memory_space<vmem>>) offsets(%dma_start3A_135 : memref<112xi32, #tpu.memory_space<vmem>>) semaphore(%arg13 : memref<!tpu.dma_semaphore, #tpu.memory_space<semaphore_mem>>)
    %dma_start3A_139 = arith.constant 1 : i32
    %dma_start3A_140 = arith.constant 5 : i32
    %dma_start3A_141 = arith.constant 560 : i32
    %dma_start3A_142 = arith.constant 0 : i32
    %dma_start3A_143 = tpu.memref_slice %arg9[%dma_start3A_141, %dma_start3A_142] : memref<784x16xf32, #tpu.memory_space<vmem>> -> memref<112x16xf32, #tpu.memory_space<vmem>>
    %dma_start3A_144 = arith.constant 0 : i32
    %dma_start3A_145 = tpu.memref_slice %arg6[%dma_start3A_139, %dma_start3A_140, %dma_start3A_144] : memref<4x7x112xi32, #tpu.memory_space<vmem>> -> memref<1x1x112xi32, #tpu.memory_space<vmem>>
    %dma_start3A_146 = tpu.memref_squeeze %dma_start3A_145 : memref<1x1x112xi32, #tpu.memory_space<vmem>> -> memref<112xi32, #tpu.memory_space<vmem>>
    %dma_start3A_147 = arith.constant 0 : i32
    %dma_start3A_148 = arith.constant 0 : i32
    %dma_start3A_149 = tpu.memref_slice %arg2[%dma_start3A_147, %dma_start3A_148] : memref<414050x16xf32, #tpu.memory_space<hbm>> -> memref<414050x16xf32, #tpu.memory_space<hbm>>
    tpu.enqueue_indirect_dma source(%dma_start3A_149 : memref<414050x16xf32, #tpu.memory_space<hbm>>) target(%dma_start3A_143 : memref<112x16xf32, #tpu.memory_space<vmem>>) offsets(%dma_start3A_146 : memref<112xi32, #tpu.memory_space<vmem>>) semaphore(%arg13 : memref<!tpu.dma_semaphore, #tpu.memory_space<semaphore_mem>>)
    %dma_start3A_150 = arith.constant 1 : i32
    %dma_start3A_151 = arith.constant 6 : i32
    %dma_start3A_152 = arith.constant 672 : i32
    %dma_start3A_153 = arith.constant 0 : i32
    %dma_start3A_154 = tpu.memref_slice %arg9[%dma_start3A_152, %dma_start3A_153] : memref<784x16xf32, #tpu.memory_space<vmem>> -> memref<112x16xf32, #tpu.memory_space<vmem>>
    %dma_start3A_155 = arith.constant 0 : i32
    %dma_start3A_156 = tpu.memref_slice %arg6[%dma_start3A_150, %dma_start3A_151, %dma_start3A_155] : memref<4x7x112xi32, #tpu.memory_space<vmem>> -> memref<1x1x112xi32, #tpu.memory_space<vmem>>
    %dma_start3A_157 = tpu.memref_squeeze %dma_start3A_156 : memref<1x1x112xi32, #tpu.memory_space<vmem>> -> memref<112xi32, #tpu.memory_space<vmem>>
    %dma_start3A_158 = arith.constant 0 : i32
    %dma_start3A_159 = arith.constant 0 : i32
    %dma_start3A_160 = tpu.memref_slice %arg2[%dma_start3A_158, %dma_start3A_159] : memref<414050x16xf32, #tpu.memory_space<hbm>> -> memref<414050x16xf32, #tpu.memory_space<hbm>>
    tpu.enqueue_indirect_dma source(%dma_start3A_160 : memref<414050x16xf32, #tpu.memory_space<hbm>>) target(%dma_start3A_154 : memref<112x16xf32, #tpu.memory_space<vmem>>) offsets(%dma_start3A_157 : memref<112xi32, #tpu.memory_space<vmem>>) semaphore(%arg13 : memref<!tpu.dma_semaphore, #tpu.memory_space<semaphore_mem>>)
    %dma_start3A_161 = arith.constant 2 : i32
    %dma_start3A_162 = arith.constant 0 : i32
    %dma_start3A_163 = arith.constant 0 : i32
    %dma_start3A_164 = arith.constant 0 : i32
    %dma_start3A_165 = tpu.memref_slice %arg10[%dma_start3A_163, %dma_start3A_164] : memref<784x16xf32, #tpu.memory_space<vmem>> -> memref<112x16xf32, #tpu.memory_space<vmem>>
    %dma_start3A_166 = arith.constant 0 : i32
    %dma_start3A_167 = tpu.memref_slice %arg6[%dma_start3A_161, %dma_start3A_162, %dma_start3A_166] : memref<4x7x112xi32, #tpu.memory_space<vmem>> -> memref<1x1x112xi32, #tpu.memory_space<vmem>>
    %dma_start3A_168 = tpu.memref_squeeze %dma_start3A_167 : memref<1x1x112xi32, #tpu.memory_space<vmem>> -> memref<112xi32, #tpu.memory_space<vmem>>
    %dma_start3A_169 = arith.constant 0 : i32
    %dma_start3A_170 = arith.constant 0 : i32
    %dma_start3A_171 = tpu.memref_slice %arg2[%dma_start3A_169, %dma_start3A_170] : memref<414050x16xf32, #tpu.memory_space<hbm>> -> memref<414050x16xf32, #tpu.memory_space<hbm>>
    tpu.enqueue_indirect_dma source(%dma_start3A_171 : memref<414050x16xf32, #tpu.memory_space<hbm>>) target(%dma_start3A_165 : memref<112x16xf32, #tpu.memory_space<vmem>>) offsets(%dma_start3A_168 : memref<112xi32, #tpu.memory_space<vmem>>) semaphore(%arg13 : memref<!tpu.dma_semaphore, #tpu.memory_space<semaphore_mem>>)
    %dma_start3A_172 = arith.constant 2 : i32
    %dma_start3A_173 = arith.constant 1 : i32
    %dma_start3A_174 = arith.constant 112 : i32
    %dma_start3A_175 = arith.constant 0 : i32
    %dma_start3A_176 = tpu.memref_slice %arg10[%dma_start3A_174, %dma_start3A_175] : memref<784x16xf32, #tpu.memory_space<vmem>> -> memref<112x16xf32, #tpu.memory_space<vmem>>
    %dma_start3A_177 = arith.constant 0 : i32
    %dma_start3A_178 = tpu.memref_slice %arg6[%dma_start3A_172, %dma_start3A_173, %dma_start3A_177] : memref<4x7x112xi32, #tpu.memory_space<vmem>> -> memref<1x1x112xi32, #tpu.memory_space<vmem>>
    %dma_start3A_179 = tpu.memref_squeeze %dma_start3A_178 : memref<1x1x112xi32, #tpu.memory_space<vmem>> -> memref<112xi32, #tpu.memory_space<vmem>>
    %dma_start3A_180 = arith.constant 0 : i32
    %dma_start3A_181 = arith.constant 0 : i32
    %dma_start3A_182 = tpu.memref_slice %arg2[%dma_start3A_180, %dma_start3A_181] : memref<414050x16xf32, #tpu.memory_space<hbm>> -> memref<414050x16xf32, #tpu.memory_space<hbm>>
    tpu.enqueue_indirect_dma source(%dma_start3A_182 : memref<414050x16xf32, #tpu.memory_space<hbm>>) target(%dma_start3A_176 : memref<112x16xf32, #tpu.memory_space<vmem>>) offsets(%dma_start3A_179 : memref<112xi32, #tpu.memory_space<vmem>>) semaphore(%arg13 : memref<!tpu.dma_semaphore, #tpu.memory_space<semaphore_mem>>)
    %dma_start3A_183 = arith.constant 2 : i32
    %dma_start3A_184 = arith.constant 2 : i32
    %dma_start3A_185 = arith.constant 224 : i32
    %dma_start3A_186 = arith.constant 0 : i32
    %dma_start3A_187 = tpu.memref_slice %arg10[%dma_start3A_185, %dma_start3A_186] : memref<784x16xf32, #tpu.memory_space<vmem>> -> memref<112x16xf32, #tpu.memory_space<vmem>>
    %dma_start3A_188 = arith.constant 0 : i32
    %dma_start3A_189 = tpu.memref_slice %arg6[%dma_start3A_183, %dma_start3A_184, %dma_start3A_188] : memref<4x7x112xi32, #tpu.memory_space<vmem>> -> memref<1x1x112xi32, #tpu.memory_space<vmem>>
    %dma_start3A_190 = tpu.memref_squeeze %dma_start3A_189 : memref<1x1x112xi32, #tpu.memory_space<vmem>> -> memref<112xi32, #tpu.memory_space<vmem>>
    %dma_start3A_191 = arith.constant 0 : i32
    %dma_start3A_192 = arith.constant 0 : i32
    %dma_start3A_193 = tpu.memref_slice %arg2[%dma_start3A_191, %dma_start3A_192] : memref<414050x16xf32, #tpu.memory_space<hbm>> -> memref<414050x16xf32, #tpu.memory_space<hbm>>
    tpu.enqueue_indirect_dma source(%dma_start3A_193 : memref<414050x16xf32, #tpu.memory_space<hbm>>) target(%dma_start3A_187 : memref<112x16xf32, #tpu.memory_space<vmem>>) offsets(%dma_start3A_190 : memref<112xi32, #tpu.memory_space<vmem>>) semaphore(%arg13 : memref<!tpu.dma_semaphore, #tpu.memory_space<semaphore_mem>>)
    %dma_start3A_194 = arith.constant 2 : i32
    %dma_start3A_195 = arith.constant 3 : i32
    %dma_start3A_196 = arith.constant 336 : i32
    %dma_start3A_197 = arith.constant 0 : i32
    %dma_start3A_198 = tpu.memref_slice %arg10[%dma_start3A_196, %dma_start3A_197] : memref<784x16xf32, #tpu.memory_space<vmem>> -> memref<112x16xf32, #tpu.memory_space<vmem>>
    %dma_start3A_199 = arith.constant 0 : i32
    %dma_start3A_200 = tpu.memref_slice %arg6[%dma_start3A_194, %dma_start3A_195, %dma_start3A_199] : memref<4x7x112xi32, #tpu.memory_space<vmem>> -> memref<1x1x112xi32, #tpu.memory_space<vmem>>
    %dma_start3A_201 = tpu.memref_squeeze %dma_start3A_200 : memref<1x1x112xi32, #tpu.memory_space<vmem>> -> memref<112xi32, #tpu.memory_space<vmem>>
    %dma_start3A_202 = arith.constant 0 : i32
    %dma_start3A_203 = arith.constant 0 : i32
    %dma_start3A_204 = tpu.memref_slice %arg2[%dma_start3A_202, %dma_start3A_203] : memref<414050x16xf32, #tpu.memory_space<hbm>> -> memref<414050x16xf32, #tpu.memory_space<hbm>>
    tpu.enqueue_indirect_dma source(%dma_start3A_204 : memref<414050x16xf32, #tpu.memory_space<hbm>>) target(%dma_start3A_198 : memref<112x16xf32, #tpu.memory_space<vmem>>) offsets(%dma_start3A_201 : memref<112xi32, #tpu.memory_space<vmem>>) semaphore(%arg13 : memref<!tpu.dma_semaphore, #tpu.memory_space<semaphore_mem>>)
    %dma_start3A_205 = arith.constant 2 : i32
    %dma_start3A_206 = arith.constant 4 : i32
    %dma_start3A_207 = arith.constant 448 : i32
    %dma_start3A_208 = arith.constant 0 : i32
    %dma_start3A_209 = tpu.memref_slice %arg10[%dma_start3A_207, %dma_start3A_208] : memref<784x16xf32, #tpu.memory_space<vmem>> -> memref<112x16xf32, #tpu.memory_space<vmem>>
    %dma_start3A_210 = arith.constant 0 : i32
    %dma_start3A_211 = tpu.memref_slice %arg6[%dma_start3A_205, %dma_start3A_206, %dma_start3A_210] : memref<4x7x112xi32, #tpu.memory_space<vmem>> -> memref<1x1x112xi32, #tpu.memory_space<vmem>>
    %dma_start3A_212 = tpu.memref_squeeze %dma_start3A_211 : memref<1x1x112xi32, #tpu.memory_space<vmem>> -> memref<112xi32, #tpu.memory_space<vmem>>
    %dma_start3A_213 = arith.constant 0 : i32
    %dma_start3A_214 = arith.constant 0 : i32
    %dma_start3A_215 = tpu.memref_slice %arg2[%dma_start3A_213, %dma_start3A_214] : memref<414050x16xf32, #tpu.memory_space<hbm>> -> memref<414050x16xf32, #tpu.memory_space<hbm>>
    tpu.enqueue_indirect_dma source(%dma_start3A_215 : memref<414050x16xf32, #tpu.memory_space<hbm>>) target(%dma_start3A_209 : memref<112x16xf32, #tpu.memory_space<vmem>>) offsets(%dma_start3A_212 : memref<112xi32, #tpu.memory_space<vmem>>) semaphore(%arg13 : memref<!tpu.dma_semaphore, #tpu.memory_space<semaphore_mem>>)
    %dma_start3A_216 = arith.constant 2 : i32
    %dma_start3A_217 = arith.constant 5 : i32
    %dma_start3A_218 = arith.constant 560 : i32
    %dma_start3A_219 = arith.constant 0 : i32
    %dma_start3A_220 = tpu.memref_slice %arg10[%dma_start3A_218, %dma_start3A_219] : memref<784x16xf32, #tpu.memory_space<vmem>> -> memref<112x16xf32, #tpu.memory_space<vmem>>
    %dma_start3A_221 = arith.constant 0 : i32
    %dma_start3A_222 = tpu.memref_slice %arg6[%dma_start3A_216, %dma_start3A_217, %dma_start3A_221] : memref<4x7x112xi32, #tpu.memory_space<vmem>> -> memref<1x1x112xi32, #tpu.memory_space<vmem>>
    %dma_start3A_223 = tpu.memref_squeeze %dma_start3A_222 : memref<1x1x112xi32, #tpu.memory_space<vmem>> -> memref<112xi32, #tpu.memory_space<vmem>>
    %dma_start3A_224 = arith.constant 0 : i32
    %dma_start3A_225 = arith.constant 0 : i32
    %dma_start3A_226 = tpu.memref_slice %arg2[%dma_start3A_224, %dma_start3A_225] : memref<414050x16xf32, #tpu.memory_space<hbm>> -> memref<414050x16xf32, #tpu.memory_space<hbm>>
    tpu.enqueue_indirect_dma source(%dma_start3A_226 : memref<414050x16xf32, #tpu.memory_space<hbm>>) target(%dma_start3A_220 : memref<112x16xf32, #tpu.memory_space<vmem>>) offsets(%dma_start3A_223 : memref<112xi32, #tpu.memory_space<vmem>>) semaphore(%arg13 : memref<!tpu.dma_semaphore, #tpu.memory_space<semaphore_mem>>)
    %dma_start3A_227 = arith.constant 2 : i32
    %dma_start3A_228 = arith.constant 6 : i32
    %dma_start3A_229 = arith.constant 672 : i32
    %dma_start3A_230 = arith.constant 0 : i32
    %dma_start3A_231 = tpu.memref_slice %arg10[%dma_start3A_229, %dma_start3A_230] : memref<784x16xf32, #tpu.memory_space<vmem>> -> memref<112x16xf32, #tpu.memory_space<vmem>>
    %dma_start3A_232 = arith.constant 0 : i32
    %dma_start3A_233 = tpu.memref_slice %arg6[%dma_start3A_227, %dma_start3A_228, %dma_start3A_232] : memref<4x7x112xi32, #tpu.memory_space<vmem>> -> memref<1x1x112xi32, #tpu.memory_space<vmem>>
    %dma_start3A_234 = tpu.memref_squeeze %dma_start3A_233 : memref<1x1x112xi32, #tpu.memory_space<vmem>> -> memref<112xi32, #tpu.memory_space<vmem>>
    %dma_start3A_235 = arith.constant 0 : i32
    %dma_start3A_236 = arith.constant 0 : i32
    %dma_start3A_237 = tpu.memref_slice %arg2[%dma_start3A_235, %dma_start3A_236] : memref<414050x16xf32, #tpu.memory_space<hbm>> -> memref<414050x16xf32, #tpu.memory_space<hbm>>
    tpu.enqueue_indirect_dma source(%dma_start3A_237 : memref<414050x16xf32, #tpu.memory_space<hbm>>) target(%dma_start3A_231 : memref<112x16xf32, #tpu.memory_space<vmem>>) offsets(%dma_start3A_234 : memref<112xi32, #tpu.memory_space<vmem>>) semaphore(%arg13 : memref<!tpu.dma_semaphore, #tpu.memory_space<semaphore_mem>>)
    %dma_start3A_238 = arith.constant 3 : i32
    %dma_start3A_239 = arith.constant 0 : i32
    %dma_start3A_240 = arith.constant 0 : i32
    %dma_start3A_241 = arith.constant 0 : i32
    %dma_start3A_242 = tpu.memref_slice %arg11[%dma_start3A_240, %dma_start3A_241] : memref<784x16xf32, #tpu.memory_space<vmem>> -> memref<112x16xf32, #tpu.memory_space<vmem>>
    %dma_start3A_243 = arith.constant 0 : i32
    %dma_start3A_244 = tpu.memref_slice %arg6[%dma_start3A_238, %dma_start3A_239, %dma_start3A_243] : memref<4x7x112xi32, #tpu.memory_space<vmem>> -> memref<1x1x112xi32, #tpu.memory_space<vmem>>
    %dma_start3A_245 = tpu.memref_squeeze %dma_start3A_244 : memref<1x1x112xi32, #tpu.memory_space<vmem>> -> memref<112xi32, #tpu.memory_space<vmem>>
    %dma_start3A_246 = arith.constant 0 : i32
    %dma_start3A_247 = arith.constant 0 : i32
    %dma_start3A_248 = tpu.memref_slice %arg2[%dma_start3A_246, %dma_start3A_247] : memref<414050x16xf32, #tpu.memory_space<hbm>> -> memref<414050x16xf32, #tpu.memory_space<hbm>>
    tpu.enqueue_indirect_dma source(%dma_start3A_248 : memref<414050x16xf32, #tpu.memory_space<hbm>>) target(%dma_start3A_242 : memref<112x16xf32, #tpu.memory_space<vmem>>) offsets(%dma_start3A_245 : memref<112xi32, #tpu.memory_space<vmem>>) semaphore(%arg13 : memref<!tpu.dma_semaphore, #tpu.memory_space<semaphore_mem>>)
    %dma_start3A_249 = arith.constant 3 : i32
    %dma_start3A_250 = arith.constant 1 : i32
    %dma_start3A_251 = arith.constant 112 : i32
    %dma_start3A_252 = arith.constant 0 : i32
    %dma_start3A_253 = tpu.memref_slice %arg11[%dma_start3A_251, %dma_start3A_252] : memref<784x16xf32, #tpu.memory_space<vmem>> -> memref<112x16xf32, #tpu.memory_space<vmem>>
    %dma_start3A_254 = arith.constant 0 : i32
    %dma_start3A_255 = tpu.memref_slice %arg6[%dma_start3A_249, %dma_start3A_250, %dma_start3A_254] : memref<4x7x112xi32, #tpu.memory_space<vmem>> -> memref<1x1x112xi32, #tpu.memory_space<vmem>>
    %dma_start3A_256 = tpu.memref_squeeze %dma_start3A_255 : memref<1x1x112xi32, #tpu.memory_space<vmem>> -> memref<112xi32, #tpu.memory_space<vmem>>
    %dma_start3A_257 = arith.constant 0 : i32
    %dma_start3A_258 = arith.constant 0 : i32
    %dma_start3A_259 = tpu.memref_slice %arg2[%dma_start3A_257, %dma_start3A_258] : memref<414050x16xf32, #tpu.memory_space<hbm>> -> memref<414050x16xf32, #tpu.memory_space<hbm>>
    tpu.enqueue_indirect_dma source(%dma_start3A_259 : memref<414050x16xf32, #tpu.memory_space<hbm>>) target(%dma_start3A_253 : memref<112x16xf32, #tpu.memory_space<vmem>>) offsets(%dma_start3A_256 : memref<112xi32, #tpu.memory_space<vmem>>) semaphore(%arg13 : memref<!tpu.dma_semaphore, #tpu.memory_space<semaphore_mem>>)
    %dma_start3A_260 = arith.constant 3 : i32
    %dma_start3A_261 = arith.constant 2 : i32
    %dma_start3A_262 = arith.constant 224 : i32
    %dma_start3A_263 = arith.constant 0 : i32
    %dma_start3A_264 = tpu.memref_slice %arg11[%dma_start3A_262, %dma_start3A_263] : memref<784x16xf32, #tpu.memory_space<vmem>> -> memref<112x16xf32, #tpu.memory_space<vmem>>
    %dma_start3A_265 = arith.constant 0 : i32
    %dma_start3A_266 = tpu.memref_slice %arg6[%dma_start3A_260, %dma_start3A_261, %dma_start3A_265] : memref<4x7x112xi32, #tpu.memory_space<vmem>> -> memref<1x1x112xi32, #tpu.memory_space<vmem>>
    %dma_start3A_267 = tpu.memref_squeeze %dma_start3A_266 : memref<1x1x112xi32, #tpu.memory_space<vmem>> -> memref<112xi32, #tpu.memory_space<vmem>>
    %dma_start3A_268 = arith.constant 0 : i32
    %dma_start3A_269 = arith.constant 0 : i32
    %dma_start3A_270 = tpu.memref_slice %arg2[%dma_start3A_268, %dma_start3A_269] : memref<414050x16xf32, #tpu.memory_space<hbm>> -> memref<414050x16xf32, #tpu.memory_space<hbm>>
    tpu.enqueue_indirect_dma source(%dma_start3A_270 : memref<414050x16xf32, #tpu.memory_space<hbm>>) target(%dma_start3A_264 : memref<112x16xf32, #tpu.memory_space<vmem>>) offsets(%dma_start3A_267 : memref<112xi32, #tpu.memory_space<vmem>>) semaphore(%arg13 : memref<!tpu.dma_semaphore, #tpu.memory_space<semaphore_mem>>)
    %dma_start3A_271 = arith.constant 3 : i32
    %dma_start3A_272 = arith.constant 3 : i32
    %dma_start3A_273 = arith.constant 336 : i32
    %dma_start3A_274 = arith.constant 0 : i32
    %dma_start3A_275 = tpu.memref_slice %arg11[%dma_start3A_273, %dma_start3A_274] : memref<784x16xf32, #tpu.memory_space<vmem>> -> memref<112x16xf32, #tpu.memory_space<vmem>>
    %dma_start3A_276 = arith.constant 0 : i32
    %dma_start3A_277 = tpu.memref_slice %arg6[%dma_start3A_271, %dma_start3A_272, %dma_start3A_276] : memref<4x7x112xi32, #tpu.memory_space<vmem>> -> memref<1x1x112xi32, #tpu.memory_space<vmem>>
    %dma_start3A_278 = tpu.memref_squeeze %dma_start3A_277 : memref<1x1x112xi32, #tpu.memory_space<vmem>> -> memref<112xi32, #tpu.memory_space<vmem>>
    %dma_start3A_279 = arith.constant 0 : i32
    %dma_start3A_280 = arith.constant 0 : i32
    %dma_start3A_281 = tpu.memref_slice %arg2[%dma_start3A_279, %dma_start3A_280] : memref<414050x16xf32, #tpu.memory_space<hbm>> -> memref<414050x16xf32, #tpu.memory_space<hbm>>
    tpu.enqueue_indirect_dma source(%dma_start3A_281 : memref<414050x16xf32, #tpu.memory_space<hbm>>) target(%dma_start3A_275 : memref<112x16xf32, #tpu.memory_space<vmem>>) offsets(%dma_start3A_278 : memref<112xi32, #tpu.memory_space<vmem>>) semaphore(%arg13 : memref<!tpu.dma_semaphore, #tpu.memory_space<semaphore_mem>>)
    %dma_start3A_282 = arith.constant 3 : i32
    %dma_start3A_283 = arith.constant 4 : i32
    %dma_start3A_284 = arith.constant 448 : i32
    %dma_start3A_285 = arith.constant 0 : i32
    %dma_start3A_286 = tpu.memref_slice %arg11[%dma_start3A_284, %dma_start3A_285] : memref<784x16xf32, #tpu.memory_space<vmem>> -> memref<112x16xf32, #tpu.memory_space<vmem>>
    %dma_start3A_287 = arith.constant 0 : i32
    %dma_start3A_288 = tpu.memref_slice %arg6[%dma_start3A_282, %dma_start3A_283, %dma_start3A_287] : memref<4x7x112xi32, #tpu.memory_space<vmem>> -> memref<1x1x112xi32, #tpu.memory_space<vmem>>
    %dma_start3A_289 = tpu.memref_squeeze %dma_start3A_288 : memref<1x1x112xi32, #tpu.memory_space<vmem>> -> memref<112xi32, #tpu.memory_space<vmem>>
    %dma_start3A_290 = arith.constant 0 : i32
    %dma_start3A_291 = arith.constant 0 : i32
    %dma_start3A_292 = tpu.memref_slice %arg2[%dma_start3A_290, %dma_start3A_291] : memref<414050x16xf32, #tpu.memory_space<hbm>> -> memref<414050x16xf32, #tpu.memory_space<hbm>>
    tpu.enqueue_indirect_dma source(%dma_start3A_292 : memref<414050x16xf32, #tpu.memory_space<hbm>>) target(%dma_start3A_286 : memref<112x16xf32, #tpu.memory_space<vmem>>) offsets(%dma_start3A_289 : memref<112xi32, #tpu.memory_space<vmem>>) semaphore(%arg13 : memref<!tpu.dma_semaphore, #tpu.memory_space<semaphore_mem>>)
    %dma_start3A_293 = arith.constant 3 : i32
    %dma_start3A_294 = arith.constant 5 : i32
    %dma_start3A_295 = arith.constant 560 : i32
    %dma_start3A_296 = arith.constant 0 : i32
    %dma_start3A_297 = tpu.memref_slice %arg11[%dma_start3A_295, %dma_start3A_296] : memref<784x16xf32, #tpu.memory_space<vmem>> -> memref<112x16xf32, #tpu.memory_space<vmem>>
    %dma_start3A_298 = arith.constant 0 : i32
    %dma_start3A_299 = tpu.memref_slice %arg6[%dma_start3A_293, %dma_start3A_294, %dma_start3A_298] : memref<4x7x112xi32, #tpu.memory_space<vmem>> -> memref<1x1x112xi32, #tpu.memory_space<vmem>>
    %dma_start3A_300 = tpu.memref_squeeze %dma_start3A_299 : memref<1x1x112xi32, #tpu.memory_space<vmem>> -> memref<112xi32, #tpu.memory_space<vmem>>
    %dma_start3A_301 = arith.constant 0 : i32
    %dma_start3A_302 = arith.constant 0 : i32
    %dma_start3A_303 = tpu.memref_slice %arg2[%dma_start3A_301, %dma_start3A_302] : memref<414050x16xf32, #tpu.memory_space<hbm>> -> memref<414050x16xf32, #tpu.memory_space<hbm>>
    tpu.enqueue_indirect_dma source(%dma_start3A_303 : memref<414050x16xf32, #tpu.memory_space<hbm>>) target(%dma_start3A_297 : memref<112x16xf32, #tpu.memory_space<vmem>>) offsets(%dma_start3A_300 : memref<112xi32, #tpu.memory_space<vmem>>) semaphore(%arg13 : memref<!tpu.dma_semaphore, #tpu.memory_space<semaphore_mem>>)
    %dma_start3A_304 = arith.constant 3 : i32
    %dma_start3A_305 = arith.constant 6 : i32
    %dma_start3A_306 = arith.constant 672 : i32
    %dma_start3A_307 = arith.constant 0 : i32
    %dma_start3A_308 = tpu.memref_slice %arg11[%dma_start3A_306, %dma_start3A_307] : memref<784x16xf32, #tpu.memory_space<vmem>> -> memref<112x16xf32, #tpu.memory_space<vmem>>
    %dma_start3A_309 = arith.constant 0 : i32
    %dma_start3A_310 = tpu.memref_slice %arg6[%dma_start3A_304, %dma_start3A_305, %dma_start3A_309] : memref<4x7x112xi32, #tpu.memory_space<vmem>> -> memref<1x1x112xi32, #tpu.memory_space<vmem>>
    %dma_start3A_311 = tpu.memref_squeeze %dma_start3A_310 : memref<1x1x112xi32, #tpu.memory_space<vmem>> -> memref<112xi32, #tpu.memory_space<vmem>>
    %dma_start3A_312 = arith.constant 0 : i32
    %dma_start3A_313 = arith.constant 0 : i32
    %dma_start3A_314 = tpu.memref_slice %arg2[%dma_start3A_312, %dma_start3A_313] : memref<414050x16xf32, #tpu.memory_space<hbm>> -> memref<414050x16xf32, #tpu.memory_space<hbm>>
    tpu.enqueue_indirect_dma source(%dma_start3A_314 : memref<414050x16xf32, #tpu.memory_space<hbm>>) target(%dma_start3A_308 : memref<112x16xf32, #tpu.memory_space<vmem>>) offsets(%dma_start3A_311 : memref<112xi32, #tpu.memory_space<vmem>>) semaphore(%arg13 : memref<!tpu.dma_semaphore, #tpu.memory_space<semaphore_mem>>)
    %dma_wait3A = arith.constant 0 : i32
    %dma_wait3A_315 = arith.constant 0 : i32
    %dma_wait3A_316 = arith.constant 0 : i32
    %dma_wait3A_317 = arith.constant 0 : i32
    %dma_wait3A_318 = tpu.memref_slice %arg8[%dma_wait3A_316, %dma_wait3A_317] : memref<784x16xf32, #tpu.memory_space<vmem>> -> memref<112x16xf32, #tpu.memory_space<vmem>>
    %dma_wait3A_319 = arith.constant 0 : i32
    %dma_wait3A_320 = tpu.memref_slice %arg6[%dma_wait3A, %dma_wait3A_315, %dma_wait3A_319] : memref<4x7x112xi32, #tpu.memory_space<vmem>> -> memref<1x1x112xi32, #tpu.memory_space<vmem>>
    %dma_wait3A_321 = tpu.memref_squeeze %dma_wait3A_320 : memref<1x1x112xi32, #tpu.memory_space<vmem>> -> memref<112xi32, #tpu.memory_space<vmem>>
    %dma_wait3A_322 = arith.constant 0 : i32
    %dma_wait3A_323 = arith.constant 0 : i32
    %dma_wait3A_324 = tpu.memref_slice %arg2[%dma_wait3A_322, %dma_wait3A_323] : memref<414050x16xf32, #tpu.memory_space<hbm>> -> memref<414050x16xf32, #tpu.memory_space<hbm>>
    tpu.wait_indirect_dma semaphore(%arg13 : memref<!tpu.dma_semaphore, #tpu.memory_space<semaphore_mem>>) src(%dma_wait3A_324 : memref<414050x16xf32, #tpu.memory_space<hbm>>) dst(%dma_wait3A_318 : memref<112x16xf32, #tpu.memory_space<vmem>>)
    %dma_wait3A_325 = arith.constant 0 : i32
    %dma_wait3A_326 = arith.constant 1 : i32
    %dma_wait3A_327 = arith.constant 112 : i32
    %dma_wait3A_328 = arith.constant 0 : i32
    %dma_wait3A_329 = tpu.memref_slice %arg8[%dma_wait3A_327, %dma_wait3A_328] : memref<784x16xf32, #tpu.memory_space<vmem>> -> memref<112x16xf32, #tpu.memory_space<vmem>>
    %dma_wait3A_330 = arith.constant 0 : i32
    %dma_wait3A_331 = tpu.memref_slice %arg6[%dma_wait3A_325, %dma_wait3A_326, %dma_wait3A_330] : memref<4x7x112xi32, #tpu.memory_space<vmem>> -> memref<1x1x112xi32, #tpu.memory_space<vmem>>
    %dma_wait3A_332 = tpu.memref_squeeze %dma_wait3A_331 : memref<1x1x112xi32, #tpu.memory_space<vmem>> -> memref<112xi32, #tpu.memory_space<vmem>>
    %dma_wait3A_333 = arith.constant 0 : i32
    %dma_wait3A_334 = arith.constant 0 : i32
    %dma_wait3A_335 = tpu.memref_slice %arg2[%dma_wait3A_333, %dma_wait3A_334] : memref<414050x16xf32, #tpu.memory_space<hbm>> -> memref<414050x16xf32, #tpu.memory_space<hbm>>
    tpu.wait_indirect_dma semaphore(%arg13 : memref<!tpu.dma_semaphore, #tpu.memory_space<semaphore_mem>>) src(%dma_wait3A_335 : memref<414050x16xf32, #tpu.memory_space<hbm>>) dst(%dma_wait3A_329 : memref<112x16xf32, #tpu.memory_space<vmem>>)
    %dma_wait3A_336 = arith.constant 0 : i32
    %dma_wait3A_337 = arith.constant 2 : i32
    %dma_wait3A_338 = arith.constant 224 : i32
    %dma_wait3A_339 = arith.constant 0 : i32
    %dma_wait3A_340 = tpu.memref_slice %arg8[%dma_wait3A_338, %dma_wait3A_339] : memref<784x16xf32, #tpu.memory_space<vmem>> -> memref<112x16xf32, #tpu.memory_space<vmem>>
    %dma_wait3A_341 = arith.constant 0 : i32
    %dma_wait3A_342 = tpu.memref_slice %arg6[%dma_wait3A_336, %dma_wait3A_337, %dma_wait3A_341] : memref<4x7x112xi32, #tpu.memory_space<vmem>> -> memref<1x1x112xi32, #tpu.memory_space<vmem>>
    %dma_wait3A_343 = tpu.memref_squeeze %dma_wait3A_342 : memref<1x1x112xi32, #tpu.memory_space<vmem>> -> memref<112xi32, #tpu.memory_space<vmem>>
    %dma_wait3A_344 = arith.constant 0 : i32
    %dma_wait3A_345 = arith.constant 0 : i32
    %dma_wait3A_346 = tpu.memref_slice %arg2[%dma_wait3A_344, %dma_wait3A_345] : memref<414050x16xf32, #tpu.memory_space<hbm>> -> memref<414050x16xf32, #tpu.memory_space<hbm>>
    tpu.wait_indirect_dma semaphore(%arg13 : memref<!tpu.dma_semaphore, #tpu.memory_space<semaphore_mem>>) src(%dma_wait3A_346 : memref<414050x16xf32, #tpu.memory_space<hbm>>) dst(%dma_wait3A_340 : memref<112x16xf32, #tpu.memory_space<vmem>>)
    %dma_wait3A_347 = arith.constant 0 : i32
    %dma_wait3A_348 = arith.constant 3 : i32
    %dma_wait3A_349 = arith.constant 336 : i32
    %dma_wait3A_350 = arith.constant 0 : i32
    %dma_wait3A_351 = tpu.memref_slice %arg8[%dma_wait3A_349, %dma_wait3A_350] : memref<784x16xf32, #tpu.memory_space<vmem>> -> memref<112x16xf32, #tpu.memory_space<vmem>>
    %dma_wait3A_352 = arith.constant 0 : i32
    %dma_wait3A_353 = tpu.memref_slice %arg6[%dma_wait3A_347, %dma_wait3A_348, %dma_wait3A_352] : memref<4x7x112xi32, #tpu.memory_space<vmem>> -> memref<1x1x112xi32, #tpu.memory_space<vmem>>
    %dma_wait3A_354 = tpu.memref_squeeze %dma_wait3A_353 : memref<1x1x112xi32, #tpu.memory_space<vmem>> -> memref<112xi32, #tpu.memory_space<vmem>>
    %dma_wait3A_355 = arith.constant 0 : i32
    %dma_wait3A_356 = arith.constant 0 : i32
    %dma_wait3A_357 = tpu.memref_slice %arg2[%dma_wait3A_355, %dma_wait3A_356] : memref<414050x16xf32, #tpu.memory_space<hbm>> -> memref<414050x16xf32, #tpu.memory_space<hbm>>
    tpu.wait_indirect_dma semaphore(%arg13 : memref<!tpu.dma_semaphore, #tpu.memory_space<semaphore_mem>>) src(%dma_wait3A_357 : memref<414050x16xf32, #tpu.memory_space<hbm>>) dst(%dma_wait3A_351 : memref<112x16xf32, #tpu.memory_space<vmem>>)
    %dma_wait3A_358 = arith.constant 0 : i32
    %dma_wait3A_359 = arith.constant 4 : i32
    %dma_wait3A_360 = arith.constant 448 : i32
    %dma_wait3A_361 = arith.constant 0 : i32
    %dma_wait3A_362 = tpu.memref_slice %arg8[%dma_wait3A_360, %dma_wait3A_361] : memref<784x16xf32, #tpu.memory_space<vmem>> -> memref<112x16xf32, #tpu.memory_space<vmem>>
    %dma_wait3A_363 = arith.constant 0 : i32
    %dma_wait3A_364 = tpu.memref_slice %arg6[%dma_wait3A_358, %dma_wait3A_359, %dma_wait3A_363] : memref<4x7x112xi32, #tpu.memory_space<vmem>> -> memref<1x1x112xi32, #tpu.memory_space<vmem>>
    %dma_wait3A_365 = tpu.memref_squeeze %dma_wait3A_364 : memref<1x1x112xi32, #tpu.memory_space<vmem>> -> memref<112xi32, #tpu.memory_space<vmem>>
    %dma_wait3A_366 = arith.constant 0 : i32
    %dma_wait3A_367 = arith.constant 0 : i32
    %dma_wait3A_368 = tpu.memref_slice %arg2[%dma_wait3A_366, %dma_wait3A_367] : memref<414050x16xf32, #tpu.memory_space<hbm>> -> memref<414050x16xf32, #tpu.memory_space<hbm>>
    tpu.wait_indirect_dma semaphore(%arg13 : memref<!tpu.dma_semaphore, #tpu.memory_space<semaphore_mem>>) src(%dma_wait3A_368 : memref<414050x16xf32, #tpu.memory_space<hbm>>) dst(%dma_wait3A_362 : memref<112x16xf32, #tpu.memory_space<vmem>>)
    %dma_wait3A_369 = arith.constant 0 : i32
    %dma_wait3A_370 = arith.constant 5 : i32
    %dma_wait3A_371 = arith.constant 560 : i32
    %dma_wait3A_372 = arith.constant 0 : i32
    %dma_wait3A_373 = tpu.memref_slice %arg8[%dma_wait3A_371, %dma_wait3A_372] : memref<784x16xf32, #tpu.memory_space<vmem>> -> memref<112x16xf32, #tpu.memory_space<vmem>>
    %dma_wait3A_374 = arith.constant 0 : i32
    %dma_wait3A_375 = tpu.memref_slice %arg6[%dma_wait3A_369, %dma_wait3A_370, %dma_wait3A_374] : memref<4x7x112xi32, #tpu.memory_space<vmem>> -> memref<1x1x112xi32, #tpu.memory_space<vmem>>
    %dma_wait3A_376 = tpu.memref_squeeze %dma_wait3A_375 : memref<1x1x112xi32, #tpu.memory_space<vmem>> -> memref<112xi32, #tpu.memory_space<vmem>>
    %dma_wait3A_377 = arith.constant 0 : i32
    %dma_wait3A_378 = arith.constant 0 : i32
    %dma_wait3A_379 = tpu.memref_slice %arg2[%dma_wait3A_377, %dma_wait3A_378] : memref<414050x16xf32, #tpu.memory_space<hbm>> -> memref<414050x16xf32, #tpu.memory_space<hbm>>
    tpu.wait_indirect_dma semaphore(%arg13 : memref<!tpu.dma_semaphore, #tpu.memory_space<semaphore_mem>>) src(%dma_wait3A_379 : memref<414050x16xf32, #tpu.memory_space<hbm>>) dst(%dma_wait3A_373 : memref<112x16xf32, #tpu.memory_space<vmem>>)
    %dma_wait3A_380 = arith.constant 0 : i32
    %dma_wait3A_381 = arith.constant 6 : i32
    %dma_wait3A_382 = arith.constant 672 : i32
    %dma_wait3A_383 = arith.constant 0 : i32
    %dma_wait3A_384 = tpu.memref_slice %arg8[%dma_wait3A_382, %dma_wait3A_383] : memref<784x16xf32, #tpu.memory_space<vmem>> -> memref<112x16xf32, #tpu.memory_space<vmem>>
    %dma_wait3A_385 = arith.constant 0 : i32
    %dma_wait3A_386 = tpu.memref_slice %arg6[%dma_wait3A_380, %dma_wait3A_381, %dma_wait3A_385] : memref<4x7x112xi32, #tpu.memory_space<vmem>> -> memref<1x1x112xi32, #tpu.memory_space<vmem>>
    %dma_wait3A_387 = tpu.memref_squeeze %dma_wait3A_386 : memref<1x1x112xi32, #tpu.memory_space<vmem>> -> memref<112xi32, #tpu.memory_space<vmem>>
    %dma_wait3A_388 = arith.constant 0 : i32
    %dma_wait3A_389 = arith.constant 0 : i32
    %dma_wait3A_390 = tpu.memref_slice %arg2[%dma_wait3A_388, %dma_wait3A_389] : memref<414050x16xf32, #tpu.memory_space<hbm>> -> memref<414050x16xf32, #tpu.memory_space<hbm>>
    tpu.wait_indirect_dma semaphore(%arg13 : memref<!tpu.dma_semaphore, #tpu.memory_space<semaphore_mem>>) src(%dma_wait3A_390 : memref<414050x16xf32, #tpu.memory_space<hbm>>) dst(%dma_wait3A_384 : memref<112x16xf32, #tpu.memory_space<vmem>>)
    %dma_wait3A_391 = arith.constant 1 : i32
    %dma_wait3A_392 = arith.constant 0 : i32
    %dma_wait3A_393 = arith.constant 0 : i32
    %dma_wait3A_394 = arith.constant 0 : i32
    %dma_wait3A_395 = tpu.memref_slice %arg9[%dma_wait3A_393, %dma_wait3A_394] : memref<784x16xf32, #tpu.memory_space<vmem>> -> memref<112x16xf32, #tpu.memory_space<vmem>>
    %dma_wait3A_396 = arith.constant 0 : i32
    %dma_wait3A_397 = tpu.memref_slice %arg6[%dma_wait3A_391, %dma_wait3A_392, %dma_wait3A_396] : memref<4x7x112xi32, #tpu.memory_space<vmem>> -> memref<1x1x112xi32, #tpu.memory_space<vmem>>
    %dma_wait3A_398 = tpu.memref_squeeze %dma_wait3A_397 : memref<1x1x112xi32, #tpu.memory_space<vmem>> -> memref<112xi32, #tpu.memory_space<vmem>>
    %dma_wait3A_399 = arith.constant 0 : i32
    %dma_wait3A_400 = arith.constant 0 : i32
    %dma_wait3A_401 = tpu.memref_slice %arg2[%dma_wait3A_399, %dma_wait3A_400] : memref<414050x16xf32, #tpu.memory_space<hbm>> -> memref<414050x16xf32, #tpu.memory_space<hbm>>
    tpu.wait_indirect_dma semaphore(%arg13 : memref<!tpu.dma_semaphore, #tpu.memory_space<semaphore_mem>>) src(%dma_wait3A_401 : memref<414050x16xf32, #tpu.memory_space<hbm>>) dst(%dma_wait3A_395 : memref<112x16xf32, #tpu.memory_space<vmem>>)
    %dma_wait3A_402 = arith.constant 1 : i32
    %dma_wait3A_403 = arith.constant 1 : i32
    %dma_wait3A_404 = arith.constant 112 : i32
    %dma_wait3A_405 = arith.constant 0 : i32
    %dma_wait3A_406 = tpu.memref_slice %arg9[%dma_wait3A_404, %dma_wait3A_405] : memref<784x16xf32, #tpu.memory_space<vmem>> -> memref<112x16xf32, #tpu.memory_space<vmem>>
    %dma_wait3A_407 = arith.constant 0 : i32
    %dma_wait3A_408 = tpu.memref_slice %arg6[%dma_wait3A_402, %dma_wait3A_403, %dma_wait3A_407] : memref<4x7x112xi32, #tpu.memory_space<vmem>> -> memref<1x1x112xi32, #tpu.memory_space<vmem>>
    %dma_wait3A_409 = tpu.memref_squeeze %dma_wait3A_408 : memref<1x1x112xi32, #tpu.memory_space<vmem>> -> memref<112xi32, #tpu.memory_space<vmem>>
    %dma_wait3A_410 = arith.constant 0 : i32
    %dma_wait3A_411 = arith.constant 0 : i32
    %dma_wait3A_412 = tpu.memref_slice %arg2[%dma_wait3A_410, %dma_wait3A_411] : memref<414050x16xf32, #tpu.memory_space<hbm>> -> memref<414050x16xf32, #tpu.memory_space<hbm>>
    tpu.wait_indirect_dma semaphore(%arg13 : memref<!tpu.dma_semaphore, #tpu.memory_space<semaphore_mem>>) src(%dma_wait3A_412 : memref<414050x16xf32, #tpu.memory_space<hbm>>) dst(%dma_wait3A_406 : memref<112x16xf32, #tpu.memory_space<vmem>>)
    %dma_wait3A_413 = arith.constant 1 : i32
    %dma_wait3A_414 = arith.constant 2 : i32
    %dma_wait3A_415 = arith.constant 224 : i32
    %dma_wait3A_416 = arith.constant 0 : i32
    %dma_wait3A_417 = tpu.memref_slice %arg9[%dma_wait3A_415, %dma_wait3A_416] : memref<784x16xf32, #tpu.memory_space<vmem>> -> memref<112x16xf32, #tpu.memory_space<vmem>>
    %dma_wait3A_418 = arith.constant 0 : i32
    %dma_wait3A_419 = tpu.memref_slice %arg6[%dma_wait3A_413, %dma_wait3A_414, %dma_wait3A_418] : memref<4x7x112xi32, #tpu.memory_space<vmem>> -> memref<1x1x112xi32, #tpu.memory_space<vmem>>
    %dma_wait3A_420 = tpu.memref_squeeze %dma_wait3A_419 : memref<1x1x112xi32, #tpu.memory_space<vmem>> -> memref<112xi32, #tpu.memory_space<vmem>>
    %dma_wait3A_421 = arith.constant 0 : i32
    %dma_wait3A_422 = arith.constant 0 : i32
    %dma_wait3A_423 = tpu.memref_slice %arg2[%dma_wait3A_421, %dma_wait3A_422] : memref<414050x16xf32, #tpu.memory_space<hbm>> -> memref<414050x16xf32, #tpu.memory_space<hbm>>
    tpu.wait_indirect_dma semaphore(%arg13 : memref<!tpu.dma_semaphore, #tpu.memory_space<semaphore_mem>>) src(%dma_wait3A_423 : memref<414050x16xf32, #tpu.memory_space<hbm>>) dst(%dma_wait3A_417 : memref<112x16xf32, #tpu.memory_space<vmem>>)
    %dma_wait3A_424 = arith.constant 1 : i32
    %dma_wait3A_425 = arith.constant 3 : i32
    %dma_wait3A_426 = arith.constant 336 : i32
    %dma_wait3A_427 = arith.constant 0 : i32
    %dma_wait3A_428 = tpu.memref_slice %arg9[%dma_wait3A_426, %dma_wait3A_427] : memref<784x16xf32, #tpu.memory_space<vmem>> -> memref<112x16xf32, #tpu.memory_space<vmem>>
    %dma_wait3A_429 = arith.constant 0 : i32
    %dma_wait3A_430 = tpu.memref_slice %arg6[%dma_wait3A_424, %dma_wait3A_425, %dma_wait3A_429] : memref<4x7x112xi32, #tpu.memory_space<vmem>> -> memref<1x1x112xi32, #tpu.memory_space<vmem>>
    %dma_wait3A_431 = tpu.memref_squeeze %dma_wait3A_430 : memref<1x1x112xi32, #tpu.memory_space<vmem>> -> memref<112xi32, #tpu.memory_space<vmem>>
    %dma_wait3A_432 = arith.constant 0 : i32
    %dma_wait3A_433 = arith.constant 0 : i32
    %dma_wait3A_434 = tpu.memref_slice %arg2[%dma_wait3A_432, %dma_wait3A_433] : memref<414050x16xf32, #tpu.memory_space<hbm>> -> memref<414050x16xf32, #tpu.memory_space<hbm>>
    tpu.wait_indirect_dma semaphore(%arg13 : memref<!tpu.dma_semaphore, #tpu.memory_space<semaphore_mem>>) src(%dma_wait3A_434 : memref<414050x16xf32, #tpu.memory_space<hbm>>) dst(%dma_wait3A_428 : memref<112x16xf32, #tpu.memory_space<vmem>>)
    %dma_wait3A_435 = arith.constant 1 : i32
    %dma_wait3A_436 = arith.constant 4 : i32
    %dma_wait3A_437 = arith.constant 448 : i32
    %dma_wait3A_438 = arith.constant 0 : i32
    %dma_wait3A_439 = tpu.memref_slice %arg9[%dma_wait3A_437, %dma_wait3A_438] : memref<784x16xf32, #tpu.memory_space<vmem>> -> memref<112x16xf32, #tpu.memory_space<vmem>>
    %dma_wait3A_440 = arith.constant 0 : i32
    %dma_wait3A_441 = tpu.memref_slice %arg6[%dma_wait3A_435, %dma_wait3A_436, %dma_wait3A_440] : memref<4x7x112xi32, #tpu.memory_space<vmem>> -> memref<1x1x112xi32, #tpu.memory_space<vmem>>
    %dma_wait3A_442 = tpu.memref_squeeze %dma_wait3A_441 : memref<1x1x112xi32, #tpu.memory_space<vmem>> -> memref<112xi32, #tpu.memory_space<vmem>>
    %dma_wait3A_443 = arith.constant 0 : i32
    %dma_wait3A_444 = arith.constant 0 : i32
    %dma_wait3A_445 = tpu.memref_slice %arg2[%dma_wait3A_443, %dma_wait3A_444] : memref<414050x16xf32, #tpu.memory_space<hbm>> -> memref<414050x16xf32, #tpu.memory_space<hbm>>
    tpu.wait_indirect_dma semaphore(%arg13 : memref<!tpu.dma_semaphore, #tpu.memory_space<semaphore_mem>>) src(%dma_wait3A_445 : memref<414050x16xf32, #tpu.memory_space<hbm>>) dst(%dma_wait3A_439 : memref<112x16xf32, #tpu.memory_space<vmem>>)
    %dma_wait3A_446 = arith.constant 1 : i32
    %dma_wait3A_447 = arith.constant 5 : i32
    %dma_wait3A_448 = arith.constant 560 : i32
    %dma_wait3A_449 = arith.constant 0 : i32
    %dma_wait3A_450 = tpu.memref_slice %arg9[%dma_wait3A_448, %dma_wait3A_449] : memref<784x16xf32, #tpu.memory_space<vmem>> -> memref<112x16xf32, #tpu.memory_space<vmem>>
    %dma_wait3A_451 = arith.constant 0 : i32
    %dma_wait3A_452 = tpu.memref_slice %arg6[%dma_wait3A_446, %dma_wait3A_447, %dma_wait3A_451] : memref<4x7x112xi32, #tpu.memory_space<vmem>> -> memref<1x1x112xi32, #tpu.memory_space<vmem>>
    %dma_wait3A_453 = tpu.memref_squeeze %dma_wait3A_452 : memref<1x1x112xi32, #tpu.memory_space<vmem>> -> memref<112xi32, #tpu.memory_space<vmem>>
    %dma_wait3A_454 = arith.constant 0 : i32
    %dma_wait3A_455 = arith.constant 0 : i32
    %dma_wait3A_456 = tpu.memref_slice %arg2[%dma_wait3A_454, %dma_wait3A_455] : memref<414050x16xf32, #tpu.memory_space<hbm>> -> memref<414050x16xf32, #tpu.memory_space<hbm>>
    tpu.wait_indirect_dma semaphore(%arg13 : memref<!tpu.dma_semaphore, #tpu.memory_space<semaphore_mem>>) src(%dma_wait3A_456 : memref<414050x16xf32, #tpu.memory_space<hbm>>) dst(%dma_wait3A_450 : memref<112x16xf32, #tpu.memory_space<vmem>>)
    %dma_wait3A_457 = arith.constant 1 : i32
    %dma_wait3A_458 = arith.constant 6 : i32
    %dma_wait3A_459 = arith.constant 672 : i32
    %dma_wait3A_460 = arith.constant 0 : i32
    %dma_wait3A_461 = tpu.memref_slice %arg9[%dma_wait3A_459, %dma_wait3A_460] : memref<784x16xf32, #tpu.memory_space<vmem>> -> memref<112x16xf32, #tpu.memory_space<vmem>>
    %dma_wait3A_462 = arith.constant 0 : i32
    %dma_wait3A_463 = tpu.memref_slice %arg6[%dma_wait3A_457, %dma_wait3A_458, %dma_wait3A_462] : memref<4x7x112xi32, #tpu.memory_space<vmem>> -> memref<1x1x112xi32, #tpu.memory_space<vmem>>
    %dma_wait3A_464 = tpu.memref_squeeze %dma_wait3A_463 : memref<1x1x112xi32, #tpu.memory_space<vmem>> -> memref<112xi32, #tpu.memory_space<vmem>>
    %dma_wait3A_465 = arith.constant 0 : i32
    %dma_wait3A_466 = arith.constant 0 : i32
    %dma_wait3A_467 = tpu.memref_slice %arg2[%dma_wait3A_465, %dma_wait3A_466] : memref<414050x16xf32, #tpu.memory_space<hbm>> -> memref<414050x16xf32, #tpu.memory_space<hbm>>
    tpu.wait_indirect_dma semaphore(%arg13 : memref<!tpu.dma_semaphore, #tpu.memory_space<semaphore_mem>>) src(%dma_wait3A_467 : memref<414050x16xf32, #tpu.memory_space<hbm>>) dst(%dma_wait3A_461 : memref<112x16xf32, #tpu.memory_space<vmem>>)
    %dma_wait3A_468 = arith.constant 2 : i32
    %dma_wait3A_469 = arith.constant 0 : i32
    %dma_wait3A_470 = arith.constant 0 : i32
    %dma_wait3A_471 = arith.constant 0 : i32
    %dma_wait3A_472 = tpu.memref_slice %arg10[%dma_wait3A_470, %dma_wait3A_471] : memref<784x16xf32, #tpu.memory_space<vmem>> -> memref<112x16xf32, #tpu.memory_space<vmem>>
    %dma_wait3A_473 = arith.constant 0 : i32
    %dma_wait3A_474 = tpu.memref_slice %arg6[%dma_wait3A_468, %dma_wait3A_469, %dma_wait3A_473] : memref<4x7x112xi32, #tpu.memory_space<vmem>> -> memref<1x1x112xi32, #tpu.memory_space<vmem>>
    %dma_wait3A_475 = tpu.memref_squeeze %dma_wait3A_474 : memref<1x1x112xi32, #tpu.memory_space<vmem>> -> memref<112xi32, #tpu.memory_space<vmem>>
    %dma_wait3A_476 = arith.constant 0 : i32
    %dma_wait3A_477 = arith.constant 0 : i32
    %dma_wait3A_478 = tpu.memref_slice %arg2[%dma_wait3A_476, %dma_wait3A_477] : memref<414050x16xf32, #tpu.memory_space<hbm>> -> memref<414050x16xf32, #tpu.memory_space<hbm>>
    tpu.wait_indirect_dma semaphore(%arg13 : memref<!tpu.dma_semaphore, #tpu.memory_space<semaphore_mem>>) src(%dma_wait3A_478 : memref<414050x16xf32, #tpu.memory_space<hbm>>) dst(%dma_wait3A_472 : memref<112x16xf32, #tpu.memory_space<vmem>>)
    %dma_wait3A_479 = arith.constant 2 : i32
    %dma_wait3A_480 = arith.constant 1 : i32
    %dma_wait3A_481 = arith.constant 112 : i32
    %dma_wait3A_482 = arith.constant 0 : i32
    %dma_wait3A_483 = tpu.memref_slice %arg10[%dma_wait3A_481, %dma_wait3A_482] : memref<784x16xf32, #tpu.memory_space<vmem>> -> memref<112x16xf32, #tpu.memory_space<vmem>>
    %dma_wait3A_484 = arith.constant 0 : i32
    %dma_wait3A_485 = tpu.memref_slice %arg6[%dma_wait3A_479, %dma_wait3A_480, %dma_wait3A_484] : memref<4x7x112xi32, #tpu.memory_space<vmem>> -> memref<1x1x112xi32, #tpu.memory_space<vmem>>
    %dma_wait3A_486 = tpu.memref_squeeze %dma_wait3A_485 : memref<1x1x112xi32, #tpu.memory_space<vmem>> -> memref<112xi32, #tpu.memory_space<vmem>>
    %dma_wait3A_487 = arith.constant 0 : i32
    %dma_wait3A_488 = arith.constant 0 : i32
    %dma_wait3A_489 = tpu.memref_slice %arg2[%dma_wait3A_487, %dma_wait3A_488] : memref<414050x16xf32, #tpu.memory_space<hbm>> -> memref<414050x16xf32, #tpu.memory_space<hbm>>
    tpu.wait_indirect_dma semaphore(%arg13 : memref<!tpu.dma_semaphore, #tpu.memory_space<semaphore_mem>>) src(%dma_wait3A_489 : memref<414050x16xf32, #tpu.memory_space<hbm>>) dst(%dma_wait3A_483 : memref<112x16xf32, #tpu.memory_space<vmem>>)
    %dma_wait3A_490 = arith.constant 2 : i32
    %dma_wait3A_491 = arith.constant 2 : i32
    %dma_wait3A_492 = arith.constant 224 : i32
    %dma_wait3A_493 = arith.constant 0 : i32
    %dma_wait3A_494 = tpu.memref_slice %arg10[%dma_wait3A_492, %dma_wait3A_493] : memref<784x16xf32, #tpu.memory_space<vmem>> -> memref<112x16xf32, #tpu.memory_space<vmem>>
    %dma_wait3A_495 = arith.constant 0 : i32
    %dma_wait3A_496 = tpu.memref_slice %arg6[%dma_wait3A_490, %dma_wait3A_491, %dma_wait3A_495] : memref<4x7x112xi32, #tpu.memory_space<vmem>> -> memref<1x1x112xi32, #tpu.memory_space<vmem>>
    %dma_wait3A_497 = tpu.memref_squeeze %dma_wait3A_496 : memref<1x1x112xi32, #tpu.memory_space<vmem>> -> memref<112xi32, #tpu.memory_space<vmem>>
    %dma_wait3A_498 = arith.constant 0 : i32
    %dma_wait3A_499 = arith.constant 0 : i32
    %dma_wait3A_500 = tpu.memref_slice %arg2[%dma_wait3A_498, %dma_wait3A_499] : memref<414050x16xf32, #tpu.memory_space<hbm>> -> memref<414050x16xf32, #tpu.memory_space<hbm>>
    tpu.wait_indirect_dma semaphore(%arg13 : memref<!tpu.dma_semaphore, #tpu.memory_space<semaphore_mem>>) src(%dma_wait3A_500 : memref<414050x16xf32, #tpu.memory_space<hbm>>) dst(%dma_wait3A_494 : memref<112x16xf32, #tpu.memory_space<vmem>>)
    %dma_wait3A_501 = arith.constant 2 : i32
    %dma_wait3A_502 = arith.constant 3 : i32
    %dma_wait3A_503 = arith.constant 336 : i32
    %dma_wait3A_504 = arith.constant 0 : i32
    %dma_wait3A_505 = tpu.memref_slice %arg10[%dma_wait3A_503, %dma_wait3A_504] : memref<784x16xf32, #tpu.memory_space<vmem>> -> memref<112x16xf32, #tpu.memory_space<vmem>>
    %dma_wait3A_506 = arith.constant 0 : i32
    %dma_wait3A_507 = tpu.memref_slice %arg6[%dma_wait3A_501, %dma_wait3A_502, %dma_wait3A_506] : memref<4x7x112xi32, #tpu.memory_space<vmem>> -> memref<1x1x112xi32, #tpu.memory_space<vmem>>
    %dma_wait3A_508 = tpu.memref_squeeze %dma_wait3A_507 : memref<1x1x112xi32, #tpu.memory_space<vmem>> -> memref<112xi32, #tpu.memory_space<vmem>>
    %dma_wait3A_509 = arith.constant 0 : i32
    %dma_wait3A_510 = arith.constant 0 : i32
    %dma_wait3A_511 = tpu.memref_slice %arg2[%dma_wait3A_509, %dma_wait3A_510] : memref<414050x16xf32, #tpu.memory_space<hbm>> -> memref<414050x16xf32, #tpu.memory_space<hbm>>
    tpu.wait_indirect_dma semaphore(%arg13 : memref<!tpu.dma_semaphore, #tpu.memory_space<semaphore_mem>>) src(%dma_wait3A_511 : memref<414050x16xf32, #tpu.memory_space<hbm>>) dst(%dma_wait3A_505 : memref<112x16xf32, #tpu.memory_space<vmem>>)
    %dma_wait3A_512 = arith.constant 2 : i32
    %dma_wait3A_513 = arith.constant 4 : i32
    %dma_wait3A_514 = arith.constant 448 : i32
    %dma_wait3A_515 = arith.constant 0 : i32
    %dma_wait3A_516 = tpu.memref_slice %arg10[%dma_wait3A_514, %dma_wait3A_515] : memref<784x16xf32, #tpu.memory_space<vmem>> -> memref<112x16xf32, #tpu.memory_space<vmem>>
    %dma_wait3A_517 = arith.constant 0 : i32
    %dma_wait3A_518 = tpu.memref_slice %arg6[%dma_wait3A_512, %dma_wait3A_513, %dma_wait3A_517] : memref<4x7x112xi32, #tpu.memory_space<vmem>> -> memref<1x1x112xi32, #tpu.memory_space<vmem>>
    %dma_wait3A_519 = tpu.memref_squeeze %dma_wait3A_518 : memref<1x1x112xi32, #tpu.memory_space<vmem>> -> memref<112xi32, #tpu.memory_space<vmem>>
    %dma_wait3A_520 = arith.constant 0 : i32
    %dma_wait3A_521 = arith.constant 0 : i32
    %dma_wait3A_522 = tpu.memref_slice %arg2[%dma_wait3A_520, %dma_wait3A_521] : memref<414050x16xf32, #tpu.memory_space<hbm>> -> memref<414050x16xf32, #tpu.memory_space<hbm>>
    tpu.wait_indirect_dma semaphore(%arg13 : memref<!tpu.dma_semaphore, #tpu.memory_space<semaphore_mem>>) src(%dma_wait3A_522 : memref<414050x16xf32, #tpu.memory_space<hbm>>) dst(%dma_wait3A_516 : memref<112x16xf32, #tpu.memory_space<vmem>>)
    %dma_wait3A_523 = arith.constant 2 : i32
    %dma_wait3A_524 = arith.constant 5 : i32
    %dma_wait3A_525 = arith.constant 560 : i32
    %dma_wait3A_526 = arith.constant 0 : i32
    %dma_wait3A_527 = tpu.memref_slice %arg10[%dma_wait3A_525, %dma_wait3A_526] : memref<784x16xf32, #tpu.memory_space<vmem>> -> memref<112x16xf32, #tpu.memory_space<vmem>>
    %dma_wait3A_528 = arith.constant 0 : i32
    %dma_wait3A_529 = tpu.memref_slice %arg6[%dma_wait3A_523, %dma_wait3A_524, %dma_wait3A_528] : memref<4x7x112xi32, #tpu.memory_space<vmem>> -> memref<1x1x112xi32, #tpu.memory_space<vmem>>
    %dma_wait3A_530 = tpu.memref_squeeze %dma_wait3A_529 : memref<1x1x112xi32, #tpu.memory_space<vmem>> -> memref<112xi32, #tpu.memory_space<vmem>>
    %dma_wait3A_531 = arith.constant 0 : i32
    %dma_wait3A_532 = arith.constant 0 : i32
    %dma_wait3A_533 = tpu.memref_slice %arg2[%dma_wait3A_531, %dma_wait3A_532] : memref<414050x16xf32, #tpu.memory_space<hbm>> -> memref<414050x16xf32, #tpu.memory_space<hbm>>
    tpu.wait_indirect_dma semaphore(%arg13 : memref<!tpu.dma_semaphore, #tpu.memory_space<semaphore_mem>>) src(%dma_wait3A_533 : memref<414050x16xf32, #tpu.memory_space<hbm>>) dst(%dma_wait3A_527 : memref<112x16xf32, #tpu.memory_space<vmem>>)
    %dma_wait3A_534 = arith.constant 2 : i32
    %dma_wait3A_535 = arith.constant 6 : i32
    %dma_wait3A_536 = arith.constant 672 : i32
    %dma_wait3A_537 = arith.constant 0 : i32
    %dma_wait3A_538 = tpu.memref_slice %arg10[%dma_wait3A_536, %dma_wait3A_537] : memref<784x16xf32, #tpu.memory_space<vmem>> -> memref<112x16xf32, #tpu.memory_space<vmem>>
    %dma_wait3A_539 = arith.constant 0 : i32
    %dma_wait3A_540 = tpu.memref_slice %arg6[%dma_wait3A_534, %dma_wait3A_535, %dma_wait3A_539] : memref<4x7x112xi32, #tpu.memory_space<vmem>> -> memref<1x1x112xi32, #tpu.memory_space<vmem>>
    %dma_wait3A_541 = tpu.memref_squeeze %dma_wait3A_540 : memref<1x1x112xi32, #tpu.memory_space<vmem>> -> memref<112xi32, #tpu.memory_space<vmem>>
    %dma_wait3A_542 = arith.constant 0 : i32
    %dma_wait3A_543 = arith.constant 0 : i32
    %dma_wait3A_544 = tpu.memref_slice %arg2[%dma_wait3A_542, %dma_wait3A_543] : memref<414050x16xf32, #tpu.memory_space<hbm>> -> memref<414050x16xf32, #tpu.memory_space<hbm>>
    tpu.wait_indirect_dma semaphore(%arg13 : memref<!tpu.dma_semaphore, #tpu.memory_space<semaphore_mem>>) src(%dma_wait3A_544 : memref<414050x16xf32, #tpu.memory_space<hbm>>) dst(%dma_wait3A_538 : memref<112x16xf32, #tpu.memory_space<vmem>>)
    %dma_wait3A_545 = arith.constant 3 : i32
    %dma_wait3A_546 = arith.constant 0 : i32
    %dma_wait3A_547 = arith.constant 0 : i32
    %dma_wait3A_548 = arith.constant 0 : i32
    %dma_wait3A_549 = tpu.memref_slice %arg11[%dma_wait3A_547, %dma_wait3A_548] : memref<784x16xf32, #tpu.memory_space<vmem>> -> memref<112x16xf32, #tpu.memory_space<vmem>>
    %dma_wait3A_550 = arith.constant 0 : i32
    %dma_wait3A_551 = tpu.memref_slice %arg6[%dma_wait3A_545, %dma_wait3A_546, %dma_wait3A_550] : memref<4x7x112xi32, #tpu.memory_space<vmem>> -> memref<1x1x112xi32, #tpu.memory_space<vmem>>
    %dma_wait3A_552 = tpu.memref_squeeze %dma_wait3A_551 : memref<1x1x112xi32, #tpu.memory_space<vmem>> -> memref<112xi32, #tpu.memory_space<vmem>>
    %dma_wait3A_553 = arith.constant 0 : i32
    %dma_wait3A_554 = arith.constant 0 : i32
    %dma_wait3A_555 = tpu.memref_slice %arg2[%dma_wait3A_553, %dma_wait3A_554] : memref<414050x16xf32, #tpu.memory_space<hbm>> -> memref<414050x16xf32, #tpu.memory_space<hbm>>
    tpu.wait_indirect_dma semaphore(%arg13 : memref<!tpu.dma_semaphore, #tpu.memory_space<semaphore_mem>>) src(%dma_wait3A_555 : memref<414050x16xf32, #tpu.memory_space<hbm>>) dst(%dma_wait3A_549 : memref<112x16xf32, #tpu.memory_space<vmem>>)
    %dma_wait3A_556 = arith.constant 3 : i32
    %dma_wait3A_557 = arith.constant 1 : i32
    %dma_wait3A_558 = arith.constant 112 : i32
    %dma_wait3A_559 = arith.constant 0 : i32
    %dma_wait3A_560 = tpu.memref_slice %arg11[%dma_wait3A_558, %dma_wait3A_559] : memref<784x16xf32, #tpu.memory_space<vmem>> -> memref<112x16xf32, #tpu.memory_space<vmem>>
    %dma_wait3A_561 = arith.constant 0 : i32
    %dma_wait3A_562 = tpu.memref_slice %arg6[%dma_wait3A_556, %dma_wait3A_557, %dma_wait3A_561] : memref<4x7x112xi32, #tpu.memory_space<vmem>> -> memref<1x1x112xi32, #tpu.memory_space<vmem>>
    %dma_wait3A_563 = tpu.memref_squeeze %dma_wait3A_562 : memref<1x1x112xi32, #tpu.memory_space<vmem>> -> memref<112xi32, #tpu.memory_space<vmem>>
    %dma_wait3A_564 = arith.constant 0 : i32
    %dma_wait3A_565 = arith.constant 0 : i32
    %dma_wait3A_566 = tpu.memref_slice %arg2[%dma_wait3A_564, %dma_wait3A_565] : memref<414050x16xf32, #tpu.memory_space<hbm>> -> memref<414050x16xf32, #tpu.memory_space<hbm>>
    tpu.wait_indirect_dma semaphore(%arg13 : memref<!tpu.dma_semaphore, #tpu.memory_space<semaphore_mem>>) src(%dma_wait3A_566 : memref<414050x16xf32, #tpu.memory_space<hbm>>) dst(%dma_wait3A_560 : memref<112x16xf32, #tpu.memory_space<vmem>>)
    %dma_wait3A_567 = arith.constant 3 : i32
    %dma_wait3A_568 = arith.constant 2 : i32
    %dma_wait3A_569 = arith.constant 224 : i32
    %dma_wait3A_570 = arith.constant 0 : i32
    %dma_wait3A_571 = tpu.memref_slice %arg11[%dma_wait3A_569, %dma_wait3A_570] : memref<784x16xf32, #tpu.memory_space<vmem>> -> memref<112x16xf32, #tpu.memory_space<vmem>>
    %dma_wait3A_572 = arith.constant 0 : i32
    %dma_wait3A_573 = tpu.memref_slice %arg6[%dma_wait3A_567, %dma_wait3A_568, %dma_wait3A_572] : memref<4x7x112xi32, #tpu.memory_space<vmem>> -> memref<1x1x112xi32, #tpu.memory_space<vmem>>
    %dma_wait3A_574 = tpu.memref_squeeze %dma_wait3A_573 : memref<1x1x112xi32, #tpu.memory_space<vmem>> -> memref<112xi32, #tpu.memory_space<vmem>>
    %dma_wait3A_575 = arith.constant 0 : i32
    %dma_wait3A_576 = arith.constant 0 : i32
    %dma_wait3A_577 = tpu.memref_slice %arg2[%dma_wait3A_575, %dma_wait3A_576] : memref<414050x16xf32, #tpu.memory_space<hbm>> -> memref<414050x16xf32, #tpu.memory_space<hbm>>
    tpu.wait_indirect_dma semaphore(%arg13 : memref<!tpu.dma_semaphore, #tpu.memory_space<semaphore_mem>>) src(%dma_wait3A_577 : memref<414050x16xf32, #tpu.memory_space<hbm>>) dst(%dma_wait3A_571 : memref<112x16xf32, #tpu.memory_space<vmem>>)
    %dma_wait3A_578 = arith.constant 3 : i32
    %dma_wait3A_579 = arith.constant 3 : i32
    %dma_wait3A_580 = arith.constant 336 : i32
    %dma_wait3A_581 = arith.constant 0 : i32
    %dma_wait3A_582 = tpu.memref_slice %arg11[%dma_wait3A_580, %dma_wait3A_581] : memref<784x16xf32, #tpu.memory_space<vmem>> -> memref<112x16xf32, #tpu.memory_space<vmem>>
    %dma_wait3A_583 = arith.constant 0 : i32
    %dma_wait3A_584 = tpu.memref_slice %arg6[%dma_wait3A_578, %dma_wait3A_579, %dma_wait3A_583] : memref<4x7x112xi32, #tpu.memory_space<vmem>> -> memref<1x1x112xi32, #tpu.memory_space<vmem>>
    %dma_wait3A_585 = tpu.memref_squeeze %dma_wait3A_584 : memref<1x1x112xi32, #tpu.memory_space<vmem>> -> memref<112xi32, #tpu.memory_space<vmem>>
    %dma_wait3A_586 = arith.constant 0 : i32
    %dma_wait3A_587 = arith.constant 0 : i32
    %dma_wait3A_588 = tpu.memref_slice %arg2[%dma_wait3A_586, %dma_wait3A_587] : memref<414050x16xf32, #tpu.memory_space<hbm>> -> memref<414050x16xf32, #tpu.memory_space<hbm>>
    tpu.wait_indirect_dma semaphore(%arg13 : memref<!tpu.dma_semaphore, #tpu.memory_space<semaphore_mem>>) src(%dma_wait3A_588 : memref<414050x16xf32, #tpu.memory_space<hbm>>) dst(%dma_wait3A_582 : memref<112x16xf32, #tpu.memory_space<vmem>>)
    %dma_wait3A_589 = arith.constant 3 : i32
    %dma_wait3A_590 = arith.constant 4 : i32
    %dma_wait3A_591 = arith.constant 448 : i32
    %dma_wait3A_592 = arith.constant 0 : i32
    %dma_wait3A_593 = tpu.memref_slice %arg11[%dma_wait3A_591, %dma_wait3A_592] : memref<784x16xf32, #tpu.memory_space<vmem>> -> memref<112x16xf32, #tpu.memory_space<vmem>>
    %dma_wait3A_594 = arith.constant 0 : i32
    %dma_wait3A_595 = tpu.memref_slice %arg6[%dma_wait3A_589, %dma_wait3A_590, %dma_wait3A_594] : memref<4x7x112xi32, #tpu.memory_space<vmem>> -> memref<1x1x112xi32, #tpu.memory_space<vmem>>
    %dma_wait3A_596 = tpu.memref_squeeze %dma_wait3A_595 : memref<1x1x112xi32, #tpu.memory_space<vmem>> -> memref<112xi32, #tpu.memory_space<vmem>>
    %dma_wait3A_597 = arith.constant 0 : i32
    %dma_wait3A_598 = arith.constant 0 : i32
    %dma_wait3A_599 = tpu.memref_slice %arg2[%dma_wait3A_597, %dma_wait3A_598] : memref<414050x16xf32, #tpu.memory_space<hbm>> -> memref<414050x16xf32, #tpu.memory_space<hbm>>
    tpu.wait_indirect_dma semaphore(%arg13 : memref<!tpu.dma_semaphore, #tpu.memory_space<semaphore_mem>>) src(%dma_wait3A_599 : memref<414050x16xf32, #tpu.memory_space<hbm>>) dst(%dma_wait3A_593 : memref<112x16xf32, #tpu.memory_space<vmem>>)
    %dma_wait3A_600 = arith.constant 3 : i32
    %dma_wait3A_601 = arith.constant 5 : i32
    %dma_wait3A_602 = arith.constant 560 : i32
    %dma_wait3A_603 = arith.constant 0 : i32
    %dma_wait3A_604 = tpu.memref_slice %arg11[%dma_wait3A_602, %dma_wait3A_603] : memref<784x16xf32, #tpu.memory_space<vmem>> -> memref<112x16xf32, #tpu.memory_space<vmem>>
    %dma_wait3A_605 = arith.constant 0 : i32
    %dma_wait3A_606 = tpu.memref_slice %arg6[%dma_wait3A_600, %dma_wait3A_601, %dma_wait3A_605] : memref<4x7x112xi32, #tpu.memory_space<vmem>> -> memref<1x1x112xi32, #tpu.memory_space<vmem>>
    %dma_wait3A_607 = tpu.memref_squeeze %dma_wait3A_606 : memref<1x1x112xi32, #tpu.memory_space<vmem>> -> memref<112xi32, #tpu.memory_space<vmem>>
    %dma_wait3A_608 = arith.constant 0 : i32
    %dma_wait3A_609 = arith.constant 0 : i32
    %dma_wait3A_610 = tpu.memref_slice %arg2[%dma_wait3A_608, %dma_wait3A_609] : memref<414050x16xf32, #tpu.memory_space<hbm>> -> memref<414050x16xf32, #tpu.memory_space<hbm>>
    tpu.wait_indirect_dma semaphore(%arg13 : memref<!tpu.dma_semaphore, #tpu.memory_space<semaphore_mem>>) src(%dma_wait3A_610 : memref<414050x16xf32, #tpu.memory_space<hbm>>) dst(%dma_wait3A_604 : memref<112x16xf32, #tpu.memory_space<vmem>>)
    %dma_wait3A_611 = arith.constant 3 : i32
    %dma_wait3A_612 = arith.constant 6 : i32
    %dma_wait3A_613 = arith.constant 672 : i32
    %dma_wait3A_614 = arith.constant 0 : i32
    %dma_wait3A_615 = tpu.memref_slice %arg11[%dma_wait3A_613, %dma_wait3A_614] : memref<784x16xf32, #tpu.memory_space<vmem>> -> memref<112x16xf32, #tpu.memory_space<vmem>>
    %dma_wait3A_616 = arith.constant 0 : i32
    %dma_wait3A_617 = tpu.memref_slice %arg6[%dma_wait3A_611, %dma_wait3A_612, %dma_wait3A_616] : memref<4x7x112xi32, #tpu.memory_space<vmem>> -> memref<1x1x112xi32, #tpu.memory_space<vmem>>
    %dma_wait3A_618 = tpu.memref_squeeze %dma_wait3A_617 : memref<1x1x112xi32, #tpu.memory_space<vmem>> -> memref<112xi32, #tpu.memory_space<vmem>>
    %dma_wait3A_619 = arith.constant 0 : i32
    %dma_wait3A_620 = arith.constant 0 : i32
    %dma_wait3A_621 = tpu.memref_slice %arg2[%dma_wait3A_619, %dma_wait3A_620] : memref<414050x16xf32, #tpu.memory_space<hbm>> -> memref<414050x16xf32, #tpu.memory_space<hbm>>
    tpu.wait_indirect_dma semaphore(%arg13 : memref<!tpu.dma_semaphore, #tpu.memory_space<semaphore_mem>>) src(%dma_wait3A_621 : memref<414050x16xf32, #tpu.memory_space<hbm>>) dst(%dma_wait3A_615 : memref<112x16xf32, #tpu.memory_space<vmem>>)
    %scan3A = arith.constant 0 : i32
    %scan3A_622 = arith.constant 0 : i32
    %scan3A_623 = arith.constant 49 : i32
    %scan3A_624 = arith.addi %scan3A_622, %scan3A_623 : i32
    %scan3A_625 = arith.constant 1 : i32
    %scan3A_626 = scf.for %scan3A_628 = %scan3A_622 to %scan3A_624 step %scan3A_625 iter_args(%scan3A_629 = %scan3A) -> (i32)  : i32 {
      %mul3A_630 = arith.constant 16 : i32
      %mul3A_631 = arith.muli %scan3A_628, %mul3A_630 : i32
      %get3A = arith.index_cast %mul3A_631 : i32 to index
      %get3A_632 = tpu.vector_load %arg7[%get3A] {strides = array<i32>} : memref<784xf32, #tpu.memory_space<vmem>>, vector<16xf32>,
      %get3A_633 = vector.shape_cast %get3A_632 : vector<16xf32> to vector<16xf32>
      %add3A_634 = arith.constant 0 : i32
      %add3A_635 = arith.addi %mul3A_631, %add3A_634 : i32
      %get3A_636 = arith.index_cast %add3A_635 : i32 to index
      %get3A_637 = arith.constant 0 : index
      %get3A_638 = tpu.vector_load %arg8[%get3A_636, %get3A_637] {strides = array<i32>} : memref<784x16xf32, #tpu.memory_space<vmem>>, vector<1x16xf32>,
      %get3A_639 = vector.shape_cast %get3A_638 : vector<1x16xf32> to vector<16xf32>
      %get3A_640 = arith.index_cast %add3A_635 : i32 to index
      %get3A_641 = arith.constant 0 : index
      %get3A_642 = tpu.vector_load %arg9[%get3A_640, %get3A_641] {strides = array<i32>} : memref<784x16xf32, #tpu.memory_space<vmem>>, vector<1x16xf32>,
      %get3A_643 = vector.shape_cast %get3A_642 : vector<1x16xf32> to vector<16xf32>
      %sub3A = arith.subf %get3A_639, %get3A_643 : vector<16xf32>
      %get3A_644 = arith.index_cast %add3A_635 : i32 to index
      %get3A_645 = arith.constant 0 : index
      %get3A_646 = tpu.vector_load %arg10[%get3A_644, %get3A_645] {strides = array<i32>} : memref<784x16xf32, #tpu.memory_space<vmem>>, vector<1x16xf32>,
      %get3A_647 = vector.shape_cast %get3A_646 : vector<1x16xf32> to vector<16xf32>
      %get3A_648 = arith.index_cast %add3A_635 : i32 to index
      %get3A_649 = arith.constant 0 : index
      %get3A_650 = tpu.vector_load %arg11[%get3A_648, %get3A_649] {strides = array<i32>} : memref<784x16xf32, #tpu.memory_space<vmem>>, vector<1x16xf32>,
      %get3A_651 = vector.shape_cast %get3A_650 : vector<1x16xf32> to vector<16xf32>
      %sub3A_652 = arith.subf %get3A_647, %get3A_651 : vector<16xf32>
      %sub3A_653 = arith.subf %sub3A, %sub3A_652 : vector<16xf32>
      %slice3A = vector.extract_strided_slice %get3A_633 {offsets = [0], sizes = [1], strides = [1]} : vector<16xf32> to vector<1xf32>
      %squeeze3A = vector.extract %slice3A[0] : f32 from vector<1xf32>
      %mul3A_654 = vector.broadcast %squeeze3A : f32 to vector<16xf32>
      %mul3A_655 = arith.mulf %sub3A_653, %mul3A_654 : vector<16xf32>
      %swap3A = arith.index_cast %add3A_635 : i32 to index
      %swap3A_656 = arith.constant 0 : index
      %swap3A_657 = tpu.vector_load %arg12[%swap3A, %swap3A_656] {strides = array<i32>} : memref<784x16xf32, #tpu.memory_space<vmem>>, vector<1x16xf32>,
      %swap3A_658 = vector.shape_cast %swap3A_657 : vector<1x16xf32> to vector<16xf32>
      %swap3A_659 = vector.shape_cast %mul3A_655 : vector<16xf32> to vector<1x16xf32>
      tpu.vector_store %arg12[%swap3A, %swap3A_656], %swap3A_659 {strides = array<i32>} : memref<784x16xf32, #tpu.memory_space<vmem>>, vector<1x16xf32>,
      %add3A_660 = arith.constant 1 : i32
      %add3A_661 = arith.addi %mul3A_631, %add3A_660 : i32
      %get3A_662 = arith.index_cast %add3A_661 : i32 to index
      %get3A_663 = arith.constant 0 : index
      %get3A_664 = tpu.vector_load %arg8[%get3A_662, %get3A_663] {strides = array<i32>} : memref<784x16xf32, #tpu.memory_space<vmem>>, vector<1x16xf32>,
      %get3A_665 = vector.shape_cast %get3A_664 : vector<1x16xf32> to vector<16xf32>
      %get3A_666 = arith.index_cast %add3A_661 : i32 to index
      %get3A_667 = arith.constant 0 : index
      %get3A_668 = tpu.vector_load %arg9[%get3A_666, %get3A_667] {strides = array<i32>} : memref<784x16xf32, #tpu.memory_space<vmem>>, vector<1x16xf32>,
      %get3A_669 = vector.shape_cast %get3A_668 : vector<1x16xf32> to vector<16xf32>
      %sub3A_670 = arith.subf %get3A_665, %get3A_669 : vector<16xf32>
      %get3A_671 = arith.index_cast %add3A_661 : i32 to index
      %get3A_672 = arith.constant 0 : index
      %get3A_673 = tpu.vector_load %arg10[%get3A_671, %get3A_672] {strides = array<i32>} : memref<784x16xf32, #tpu.memory_space<vmem>>, vector<1x16xf32>,
      %get3A_674 = vector.shape_cast %get3A_673 : vector<1x16xf32> to vector<16xf32>
      %get3A_675 = arith.index_cast %add3A_661 : i32 to index
      %get3A_676 = arith.constant 0 : index
      %get3A_677 = tpu.vector_load %arg11[%get3A_675, %get3A_676] {strides = array<i32>} : memref<784x16xf32, #tpu.memory_space<vmem>>, vector<1x16xf32>,
      %get3A_678 = vector.shape_cast %get3A_677 : vector<1x16xf32> to vector<16xf32>
      %sub3A_679 = arith.subf %get3A_674, %get3A_678 : vector<16xf32>
      %sub3A_680 = arith.subf %sub3A_670, %sub3A_679 : vector<16xf32>
      %slice3A_681 = vector.extract_strided_slice %get3A_633 {offsets = [1], sizes = [1], strides = [1]} : vector<16xf32> to vector<1xf32>
      %squeeze3A_682 = vector.extract %slice3A_681[0] : f32 from vector<1xf32>
      %mul3A_683 = vector.broadcast %squeeze3A_682 : f32 to vector<16xf32>
      %mul3A_684 = arith.mulf %sub3A_680, %mul3A_683 : vector<16xf32>
      %swap3A_685 = arith.index_cast %add3A_661 : i32 to index
      %swap3A_686 = arith.constant 0 : index
      %swap3A_687 = tpu.vector_load %arg12[%swap3A_685, %swap3A_686] {strides = array<i32>} : memref<784x16xf32, #tpu.memory_space<vmem>>, vector<1x16xf32>,
      %swap3A_688 = vector.shape_cast %swap3A_687 : vector<1x16xf32> to vector<16xf32>
      %swap3A_689 = vector.shape_cast %mul3A_684 : vector<16xf32> to vector<1x16xf32>
      tpu.vector_store %arg12[%swap3A_685, %swap3A_686], %swap3A_689 {strides = array<i32>} : memref<784x16xf32, #tpu.memory_space<vmem>>, vector<1x16xf32>,
      %add3A_690 = arith.constant 2 : i32
      %add3A_691 = arith.addi %mul3A_631, %add3A_690 : i32
      %get3A_692 = arith.index_cast %add3A_691 : i32 to index
      %get3A_693 = arith.constant 0 : index
      %get3A_694 = tpu.vector_load %arg8[%get3A_692, %get3A_693] {strides = array<i32>} : memref<784x16xf32, #tpu.memory_space<vmem>>, vector<1x16xf32>,
      %get3A_695 = vector.shape_cast %get3A_694 : vector<1x16xf32> to vector<16xf32>
      %get3A_696 = arith.index_cast %add3A_691 : i32 to index
      %get3A_697 = arith.constant 0 : index
      %get3A_698 = tpu.vector_load %arg9[%get3A_696, %get3A_697] {strides = array<i32>} : memref<784x16xf32, #tpu.memory_space<vmem>>, vector<1x16xf32>,
      %get3A_699 = vector.shape_cast %get3A_698 : vector<1x16xf32> to vector<16xf32>
      %sub3A_700 = arith.subf %get3A_695, %get3A_699 : vector<16xf32>
      %get3A_701 = arith.index_cast %add3A_691 : i32 to index
      %get3A_702 = arith.constant 0 : index
      %get3A_703 = tpu.vector_load %arg10[%get3A_701, %get3A_702] {strides = array<i32>} : memref<784x16xf32, #tpu.memory_space<vmem>>, vector<1x16xf32>,
      %get3A_704 = vector.shape_cast %get3A_703 : vector<1x16xf32> to vector<16xf32>
      %get3A_705 = arith.index_cast %add3A_691 : i32 to index
      %get3A_706 = arith.constant 0 : index
      %get3A_707 = tpu.vector_load %arg11[%get3A_705, %get3A_706] {strides = array<i32>} : memref<784x16xf32, #tpu.memory_space<vmem>>, vector<1x16xf32>,
      %get3A_708 = vector.shape_cast %get3A_707 : vector<1x16xf32> to vector<16xf32>
      %sub3A_709 = arith.subf %get3A_704, %get3A_708 : vector<16xf32>
      %sub3A_710 = arith.subf %sub3A_700, %sub3A_709 : vector<16xf32>
      %slice3A_711 = vector.extract_strided_slice %get3A_633 {offsets = [2], sizes = [1], strides = [1]} : vector<16xf32> to vector<1xf32>
      %squeeze3A_712 = vector.extract %slice3A_711[0] : f32 from vector<1xf32>
      %mul3A_713 = vector.broadcast %squeeze3A_712 : f32 to vector<16xf32>
      %mul3A_714 = arith.mulf %sub3A_710, %mul3A_713 : vector<16xf32>
      %swap3A_715 = arith.index_cast %add3A_691 : i32 to index
      %swap3A_716 = arith.constant 0 : index
      %swap3A_717 = tpu.vector_load %arg12[%swap3A_715, %swap3A_716] {strides = array<i32>} : memref<784x16xf32, #tpu.memory_space<vmem>>, vector<1x16xf32>,
      %swap3A_718 = vector.shape_cast %swap3A_717 : vector<1x16xf32> to vector<16xf32>
      %swap3A_719 = vector.shape_cast %mul3A_714 : vector<16xf32> to vector<1x16xf32>
      tpu.vector_store %arg12[%swap3A_715, %swap3A_716], %swap3A_719 {strides = array<i32>} : memref<784x16xf32, #tpu.memory_space<vmem>>, vector<1x16xf32>,
      %add3A_720 = arith.constant 3 : i32
      %add3A_721 = arith.addi %mul3A_631, %add3A_720 : i32
      %get3A_722 = arith.index_cast %add3A_721 : i32 to index
      %get3A_723 = arith.constant 0 : index
      %get3A_724 = tpu.vector_load %arg8[%get3A_722, %get3A_723] {strides = array<i32>} : memref<784x16xf32, #tpu.memory_space<vmem>>, vector<1x16xf32>,
      %get3A_725 = vector.shape_cast %get3A_724 : vector<1x16xf32> to vector<16xf32>
      %get3A_726 = arith.index_cast %add3A_721 : i32 to index
      %get3A_727 = arith.constant 0 : index
      %get3A_728 = tpu.vector_load %arg9[%get3A_726, %get3A_727] {strides = array<i32>} : memref<784x16xf32, #tpu.memory_space<vmem>>, vector<1x16xf32>,
      %get3A_729 = vector.shape_cast %get3A_728 : vector<1x16xf32> to vector<16xf32>
      %sub3A_730 = arith.subf %get3A_725, %get3A_729 : vector<16xf32>
      %get3A_731 = arith.index_cast %add3A_721 : i32 to index
      %get3A_732 = arith.constant 0 : index
      %get3A_733 = tpu.vector_load %arg10[%get3A_731, %get3A_732] {strides = array<i32>} : memref<784x16xf32, #tpu.memory_space<vmem>>, vector<1x16xf32>,
      %get3A_734 = vector.shape_cast %get3A_733 : vector<1x16xf32> to vector<16xf32>
      %get3A_735 = arith.index_cast %add3A_721 : i32 to index
      %get3A_736 = arith.constant 0 : index
      %get3A_737 = tpu.vector_load %arg11[%get3A_735, %get3A_736] {strides = array<i32>} : memref<784x16xf32, #tpu.memory_space<vmem>>, vector<1x16xf32>,
      %get3A_738 = vector.shape_cast %get3A_737 : vector<1x16xf32> to vector<16xf32>
      %sub3A_739 = arith.subf %get3A_734, %get3A_738 : vector<16xf32>
      %sub3A_740 = arith.subf %sub3A_730, %sub3A_739 : vector<16xf32>
      %slice3A_741 = vector.extract_strided_slice %get3A_633 {offsets = [3], sizes = [1], strides = [1]} : vector<16xf32> to vector<1xf32>
      %squeeze3A_742 = vector.extract %slice3A_741[0] : f32 from vector<1xf32>
      %mul3A_743 = vector.broadcast %squeeze3A_742 : f32 to vector<16xf32>
      %mul3A_744 = arith.mulf %sub3A_740, %mul3A_743 : vector<16xf32>
      %swap3A_745 = arith.index_cast %add3A_721 : i32 to index
      %swap3A_746 = arith.constant 0 : index
      %swap3A_747 = tpu.vector_load %arg12[%swap3A_745, %swap3A_746] {strides = array<i32>} : memref<784x16xf32, #tpu.memory_space<vmem>>, vector<1x16xf32>,
      %swap3A_748 = vector.shape_cast %swap3A_747 : vector<1x16xf32> to vector<16xf32>
      %swap3A_749 = vector.shape_cast %mul3A_744 : vector<16xf32> to vector<1x16xf32>
      tpu.vector_store %arg12[%swap3A_745, %swap3A_746], %swap3A_749 {strides = array<i32>} : memref<784x16xf32, #tpu.memory_space<vmem>>, vector<1x16xf32>,
      %add3A_750 = arith.constant 4 : i32
      %add3A_751 = arith.addi %mul3A_631, %add3A_750 : i32
      %get3A_752 = arith.index_cast %add3A_751 : i32 to index
      %get3A_753 = arith.constant 0 : index
      %get3A_754 = tpu.vector_load %arg8[%get3A_752, %get3A_753] {strides = array<i32>} : memref<784x16xf32, #tpu.memory_space<vmem>>, vector<1x16xf32>,
      %get3A_755 = vector.shape_cast %get3A_754 : vector<1x16xf32> to vector<16xf32>
      %get3A_756 = arith.index_cast %add3A_751 : i32 to index
      %get3A_757 = arith.constant 0 : index
      %get3A_758 = tpu.vector_load %arg9[%get3A_756, %get3A_757] {strides = array<i32>} : memref<784x16xf32, #tpu.memory_space<vmem>>, vector<1x16xf32>,
      %get3A_759 = vector.shape_cast %get3A_758 : vector<1x16xf32> to vector<16xf32>
      %sub3A_760 = arith.subf %get3A_755, %get3A_759 : vector<16xf32>
      %get3A_761 = arith.index_cast %add3A_751 : i32 to index
      %get3A_762 = arith.constant 0 : index
      %get3A_763 = tpu.vector_load %arg10[%get3A_761, %get3A_762] {strides = array<i32>} : memref<784x16xf32, #tpu.memory_space<vmem>>, vector<1x16xf32>,
      %get3A_764 = vector.shape_cast %get3A_763 : vector<1x16xf32> to vector<16xf32>
      %get3A_765 = arith.index_cast %add3A_751 : i32 to index
      %get3A_766 = arith.constant 0 : index
      %get3A_767 = tpu.vector_load %arg11[%get3A_765, %get3A_766] {strides = array<i32>} : memref<784x16xf32, #tpu.memory_space<vmem>>, vector<1x16xf32>,
      %get3A_768 = vector.shape_cast %get3A_767 : vector<1x16xf32> to vector<16xf32>
      %sub3A_769 = arith.subf %get3A_764, %get3A_768 : vector<16xf32>
      %sub3A_770 = arith.subf %sub3A_760, %sub3A_769 : vector<16xf32>
      %slice3A_771 = vector.extract_strided_slice %get3A_633 {offsets = [4], sizes = [1], strides = [1]} : vector<16xf32> to vector<1xf32>
      %squeeze3A_772 = vector.extract %slice3A_771[0] : f32 from vector<1xf32>
      %mul3A_773 = vector.broadcast %squeeze3A_772 : f32 to vector<16xf32>
      %mul3A_774 = arith.mulf %sub3A_770, %mul3A_773 : vector<16xf32>
      %swap3A_775 = arith.index_cast %add3A_751 : i32 to index
      %swap3A_776 = arith.constant 0 : index
      %swap3A_777 = tpu.vector_load %arg12[%swap3A_775, %swap3A_776] {strides = array<i32>} : memref<784x16xf32, #tpu.memory_space<vmem>>, vector<1x16xf32>,
      %swap3A_778 = vector.shape_cast %swap3A_777 : vector<1x16xf32> to vector<16xf32>
      %swap3A_779 = vector.shape_cast %mul3A_774 : vector<16xf32> to vector<1x16xf32>
      tpu.vector_store %arg12[%swap3A_775, %swap3A_776], %swap3A_779 {strides = array<i32>} : memref<784x16xf32, #tpu.memory_space<vmem>>, vector<1x16xf32>,
      %add3A_780 = arith.constant 5 : i32
      %add3A_781 = arith.addi %mul3A_631, %add3A_780 : i32
      %get3A_782 = arith.index_cast %add3A_781 : i32 to index
      %get3A_783 = arith.constant 0 : index
      %get3A_784 = tpu.vector_load %arg8[%get3A_782, %get3A_783] {strides = array<i32>} : memref<784x16xf32, #tpu.memory_space<vmem>>, vector<1x16xf32>,
      %get3A_785 = vector.shape_cast %get3A_784 : vector<1x16xf32> to vector<16xf32>
      %get3A_786 = arith.index_cast %add3A_781 : i32 to index
      %get3A_787 = arith.constant 0 : index
      %get3A_788 = tpu.vector_load %arg9[%get3A_786, %get3A_787] {strides = array<i32>} : memref<784x16xf32, #tpu.memory_space<vmem>>, vector<1x16xf32>,
      %get3A_789 = vector.shape_cast %get3A_788 : vector<1x16xf32> to vector<16xf32>
      %sub3A_790 = arith.subf %get3A_785, %get3A_789 : vector<16xf32>
      %get3A_791 = arith.index_cast %add3A_781 : i32 to index
      %get3A_792 = arith.constant 0 : index
      %get3A_793 = tpu.vector_load %arg10[%get3A_791, %get3A_792] {strides = array<i32>} : memref<784x16xf32, #tpu.memory_space<vmem>>, vector<1x16xf32>,
      %get3A_794 = vector.shape_cast %get3A_793 : vector<1x16xf32> to vector<16xf32>
      %get3A_795 = arith.index_cast %add3A_781 : i32 to index
      %get3A_796 = arith.constant 0 : index
      %get3A_797 = tpu.vector_load %arg11[%get3A_795, %get3A_796] {strides = array<i32>} : memref<784x16xf32, #tpu.memory_space<vmem>>, vector<1x16xf32>,
      %get3A_798 = vector.shape_cast %get3A_797 : vector<1x16xf32> to vector<16xf32>
      %sub3A_799 = arith.subf %get3A_794, %get3A_798 : vector<16xf32>
      %sub3A_800 = arith.subf %sub3A_790, %sub3A_799 : vector<16xf32>
      %slice3A_801 = vector.extract_strided_slice %get3A_633 {offsets = [5], sizes = [1], strides = [1]} : vector<16xf32> to vector<1xf32>
      %squeeze3A_802 = vector.extract %slice3A_801[0] : f32 from vector<1xf32>
      %mul3A_803 = vector.broadcast %squeeze3A_802 : f32 to vector<16xf32>
      %mul3A_804 = arith.mulf %sub3A_800, %mul3A_803 : vector<16xf32>
      %swap3A_805 = arith.index_cast %add3A_781 : i32 to index
      %swap3A_806 = arith.constant 0 : index
      %swap3A_807 = tpu.vector_load %arg12[%swap3A_805, %swap3A_806] {strides = array<i32>} : memref<784x16xf32, #tpu.memory_space<vmem>>, vector<1x16xf32>,
      %swap3A_808 = vector.shape_cast %swap3A_807 : vector<1x16xf32> to vector<16xf32>
      %swap3A_809 = vector.shape_cast %mul3A_804 : vector<16xf32> to vector<1x16xf32>
      tpu.vector_store %arg12[%swap3A_805, %swap3A_806], %swap3A_809 {strides = array<i32>} : memref<784x16xf32, #tpu.memory_space<vmem>>, vector<1x16xf32>,
      %add3A_810 = arith.constant 6 : i32
      %add3A_811 = arith.addi %mul3A_631, %add3A_810 : i32
      %get3A_812 = arith.index_cast %add3A_811 : i32 to index
      %get3A_813 = arith.constant 0 : index
      %get3A_814 = tpu.vector_load %arg8[%get3A_812, %get3A_813] {strides = array<i32>} : memref<784x16xf32, #tpu.memory_space<vmem>>, vector<1x16xf32>,
      %get3A_815 = vector.shape_cast %get3A_814 : vector<1x16xf32> to vector<16xf32>
      %get3A_816 = arith.index_cast %add3A_811 : i32 to index
      %get3A_817 = arith.constant 0 : index
      %get3A_818 = tpu.vector_load %arg9[%get3A_816, %get3A_817] {strides = array<i32>} : memref<784x16xf32, #tpu.memory_space<vmem>>, vector<1x16xf32>,
      %get3A_819 = vector.shape_cast %get3A_818 : vector<1x16xf32> to vector<16xf32>
      %sub3A_820 = arith.subf %get3A_815, %get3A_819 : vector<16xf32>
      %get3A_821 = arith.index_cast %add3A_811 : i32 to index
      %get3A_822 = arith.constant 0 : index
      %get3A_823 = tpu.vector_load %arg10[%get3A_821, %get3A_822] {strides = array<i32>} : memref<784x16xf32, #tpu.memory_space<vmem>>, vector<1x16xf32>,
      %get3A_824 = vector.shape_cast %get3A_823 : vector<1x16xf32> to vector<16xf32>
      %get3A_825 = arith.index_cast %add3A_811 : i32 to index
      %get3A_826 = arith.constant 0 : index
      %get3A_827 = tpu.vector_load %arg11[%get3A_825, %get3A_826] {strides = array<i32>} : memref<784x16xf32, #tpu.memory_space<vmem>>, vector<1x16xf32>,
      %get3A_828 = vector.shape_cast %get3A_827 : vector<1x16xf32> to vector<16xf32>
      %sub3A_829 = arith.subf %get3A_824, %get3A_828 : vector<16xf32>
      %sub3A_830 = arith.subf %sub3A_820, %sub3A_829 : vector<16xf32>
      %slice3A_831 = vector.extract_strided_slice %get3A_633 {offsets = [6], sizes = [1], strides = [1]} : vector<16xf32> to vector<1xf32>
      %squeeze3A_832 = vector.extract %slice3A_831[0] : f32 from vector<1xf32>
      %mul3A_833 = vector.broadcast %squeeze3A_832 : f32 to vector<16xf32>
      %mul3A_834 = arith.mulf %sub3A_830, %mul3A_833 : vector<16xf32>
      %swap3A_835 = arith.index_cast %add3A_811 : i32 to index
      %swap3A_836 = arith.constant 0 : index
      %swap3A_837 = tpu.vector_load %arg12[%swap3A_835, %swap3A_836] {strides = array<i32>} : memref<784x16xf32, #tpu.memory_space<vmem>>, vector<1x16xf32>,
      %swap3A_838 = vector.shape_cast %swap3A_837 : vector<1x16xf32> to vector<16xf32>
      %swap3A_839 = vector.shape_cast %mul3A_834 : vector<16xf32> to vector<1x16xf32>
      tpu.vector_store %arg12[%swap3A_835, %swap3A_836], %swap3A_839 {strides = array<i32>} : memref<784x16xf32, #tpu.memory_space<vmem>>, vector<1x16xf32>,
      %add3A_840 = arith.constant 7 : i32
      %add3A_841 = arith.addi %mul3A_631, %add3A_840 : i32
      %get3A_842 = arith.index_cast %add3A_841 : i32 to index
      %get3A_843 = arith.constant 0 : index
      %get3A_844 = tpu.vector_load %arg8[%get3A_842, %get3A_843] {strides = array<i32>} : memref<784x16xf32, #tpu.memory_space<vmem>>, vector<1x16xf32>,
      %get3A_845 = vector.shape_cast %get3A_844 : vector<1x16xf32> to vector<16xf32>
      %get3A_846 = arith.index_cast %add3A_841 : i32 to index
      %get3A_847 = arith.constant 0 : index
      %get3A_848 = tpu.vector_load %arg9[%get3A_846, %get3A_847] {strides = array<i32>} : memref<784x16xf32, #tpu.memory_space<vmem>>, vector<1x16xf32>,
      %get3A_849 = vector.shape_cast %get3A_848 : vector<1x16xf32> to vector<16xf32>
      %sub3A_850 = arith.subf %get3A_845, %get3A_849 : vector<16xf32>
      %get3A_851 = arith.index_cast %add3A_841 : i32 to index
      %get3A_852 = arith.constant 0 : index
      %get3A_853 = tpu.vector_load %arg10[%get3A_851, %get3A_852] {strides = array<i32>} : memref<784x16xf32, #tpu.memory_space<vmem>>, vector<1x16xf32>,
      %get3A_854 = vector.shape_cast %get3A_853 : vector<1x16xf32> to vector<16xf32>
      %get3A_855 = arith.index_cast %add3A_841 : i32 to index
      %get3A_856 = arith.constant 0 : index
      %get3A_857 = tpu.vector_load %arg11[%get3A_855, %get3A_856] {strides = array<i32>} : memref<784x16xf32, #tpu.memory_space<vmem>>, vector<1x16xf32>,
      %get3A_858 = vector.shape_cast %get3A_857 : vector<1x16xf32> to vector<16xf32>
      %sub3A_859 = arith.subf %get3A_854, %get3A_858 : vector<16xf32>
      %sub3A_860 = arith.subf %sub3A_850, %sub3A_859 : vector<16xf32>
      %slice3A_861 = vector.extract_strided_slice %get3A_633 {offsets = [7], sizes = [1], strides = [1]} : vector<16xf32> to vector<1xf32>
      %squeeze3A_862 = vector.extract %slice3A_861[0] : f32 from vector<1xf32>
      %mul3A_863 = vector.broadcast %squeeze3A_862 : f32 to vector<16xf32>
      %mul3A_864 = arith.mulf %sub3A_860, %mul3A_863 : vector<16xf32>
      %swap3A_865 = arith.index_cast %add3A_841 : i32 to index
      %swap3A_866 = arith.constant 0 : index
      %swap3A_867 = tpu.vector_load %arg12[%swap3A_865, %swap3A_866] {strides = array<i32>} : memref<784x16xf32, #tpu.memory_space<vmem>>, vector<1x16xf32>,
      %swap3A_868 = vector.shape_cast %swap3A_867 : vector<1x16xf32> to vector<16xf32>
      %swap3A_869 = vector.shape_cast %mul3A_864 : vector<16xf32> to vector<1x16xf32>
      tpu.vector_store %arg12[%swap3A_865, %swap3A_866], %swap3A_869 {strides = array<i32>} : memref<784x16xf32, #tpu.memory_space<vmem>>, vector<1x16xf32>,
      %add3A_870 = arith.constant 8 : i32
      %add3A_871 = arith.addi %mul3A_631, %add3A_870 : i32
      %get3A_872 = arith.index_cast %add3A_871 : i32 to index
      %get3A_873 = arith.constant 0 : index
      %get3A_874 = tpu.vector_load %arg8[%get3A_872, %get3A_873] {strides = array<i32>} : memref<784x16xf32, #tpu.memory_space<vmem>>, vector<1x16xf32>,
      %get3A_875 = vector.shape_cast %get3A_874 : vector<1x16xf32> to vector<16xf32>
      %get3A_876 = arith.index_cast %add3A_871 : i32 to index
      %get3A_877 = arith.constant 0 : index
      %get3A_878 = tpu.vector_load %arg9[%get3A_876, %get3A_877] {strides = array<i32>} : memref<784x16xf32, #tpu.memory_space<vmem>>, vector<1x16xf32>,
      %get3A_879 = vector.shape_cast %get3A_878 : vector<1x16xf32> to vector<16xf32>
      %sub3A_880 = arith.subf %get3A_875, %get3A_879 : vector<16xf32>
      %get3A_881 = arith.index_cast %add3A_871 : i32 to index
      %get3A_882 = arith.constant 0 : index
      %get3A_883 = tpu.vector_load %arg10[%get3A_881, %get3A_882] {strides = array<i32>} : memref<784x16xf32, #tpu.memory_space<vmem>>, vector<1x16xf32>,
      %get3A_884 = vector.shape_cast %get3A_883 : vector<1x16xf32> to vector<16xf32>
      %get3A_885 = arith.index_cast %add3A_871 : i32 to index
      %get3A_886 = arith.constant 0 : index
      %get3A_887 = tpu.vector_load %arg11[%get3A_885, %get3A_886] {strides = array<i32>} : memref<784x16xf32, #tpu.memory_space<vmem>>, vector<1x16xf32>,
      %get3A_888 = vector.shape_cast %get3A_887 : vector<1x16xf32> to vector<16xf32>
      %sub3A_889 = arith.subf %get3A_884, %get3A_888 : vector<16xf32>
      %sub3A_890 = arith.subf %sub3A_880, %sub3A_889 : vector<16xf32>
      %slice3A_891 = vector.extract_strided_slice %get3A_633 {offsets = [8], sizes = [1], strides = [1]} : vector<16xf32> to vector<1xf32>
      %squeeze3A_892 = vector.extract %slice3A_891[0] : f32 from vector<1xf32>
      %mul3A_893 = vector.broadcast %squeeze3A_892 : f32 to vector<16xf32>
      %mul3A_894 = arith.mulf %sub3A_890, %mul3A_893 : vector<16xf32>
      %swap3A_895 = arith.index_cast %add3A_871 : i32 to index
      %swap3A_896 = arith.constant 0 : index
      %swap3A_897 = tpu.vector_load %arg12[%swap3A_895, %swap3A_896] {strides = array<i32>} : memref<784x16xf32, #tpu.memory_space<vmem>>, vector<1x16xf32>,
      %swap3A_898 = vector.shape_cast %swap3A_897 : vector<1x16xf32> to vector<16xf32>
      %swap3A_899 = vector.shape_cast %mul3A_894 : vector<16xf32> to vector<1x16xf32>
      tpu.vector_store %arg12[%swap3A_895, %swap3A_896], %swap3A_899 {strides = array<i32>} : memref<784x16xf32, #tpu.memory_space<vmem>>, vector<1x16xf32>,
      %add3A_900 = arith.constant 9 : i32
      %add3A_901 = arith.addi %mul3A_631, %add3A_900 : i32
      %get3A_902 = arith.index_cast %add3A_901 : i32 to index
      %get3A_903 = arith.constant 0 : index
      %get3A_904 = tpu.vector_load %arg8[%get3A_902, %get3A_903] {strides = array<i32>} : memref<784x16xf32, #tpu.memory_space<vmem>>, vector<1x16xf32>,
      %get3A_905 = vector.shape_cast %get3A_904 : vector<1x16xf32> to vector<16xf32>
      %get3A_906 = arith.index_cast %add3A_901 : i32 to index
      %get3A_907 = arith.constant 0 : index
      %get3A_908 = tpu.vector_load %arg9[%get3A_906, %get3A_907] {strides = array<i32>} : memref<784x16xf32, #tpu.memory_space<vmem>>, vector<1x16xf32>,
      %get3A_909 = vector.shape_cast %get3A_908 : vector<1x16xf32> to vector<16xf32>
      %sub3A_910 = arith.subf %get3A_905, %get3A_909 : vector<16xf32>
      %get3A_911 = arith.index_cast %add3A_901 : i32 to index
      %get3A_912 = arith.constant 0 : index
      %get3A_913 = tpu.vector_load %arg10[%get3A_911, %get3A_912] {strides = array<i32>} : memref<784x16xf32, #tpu.memory_space<vmem>>, vector<1x16xf32>,
      %get3A_914 = vector.shape_cast %get3A_913 : vector<1x16xf32> to vector<16xf32>
      %get3A_915 = arith.index_cast %add3A_901 : i32 to index
      %get3A_916 = arith.constant 0 : index
      %get3A_917 = tpu.vector_load %arg11[%get3A_915, %get3A_916] {strides = array<i32>} : memref<784x16xf32, #tpu.memory_space<vmem>>, vector<1x16xf32>,
      %get3A_918 = vector.shape_cast %get3A_917 : vector<1x16xf32> to vector<16xf32>
      %sub3A_919 = arith.subf %get3A_914, %get3A_918 : vector<16xf32>
      %sub3A_920 = arith.subf %sub3A_910, %sub3A_919 : vector<16xf32>
      %slice3A_921 = vector.extract_strided_slice %get3A_633 {offsets = [9], sizes = [1], strides = [1]} : vector<16xf32> to vector<1xf32>
      %squeeze3A_922 = vector.extract %slice3A_921[0] : f32 from vector<1xf32>
      %mul3A_923 = vector.broadcast %squeeze3A_922 : f32 to vector<16xf32>
      %mul3A_924 = arith.mulf %sub3A_920, %mul3A_923 : vector<16xf32>
      %swap3A_925 = arith.index_cast %add3A_901 : i32 to index
      %swap3A_926 = arith.constant 0 : index
      %swap3A_927 = tpu.vector_load %arg12[%swap3A_925, %swap3A_926] {strides = array<i32>} : memref<784x16xf32, #tpu.memory_space<vmem>>, vector<1x16xf32>,
      %swap3A_928 = vector.shape_cast %swap3A_927 : vector<1x16xf32> to vector<16xf32>
      %swap3A_929 = vector.shape_cast %mul3A_924 : vector<16xf32> to vector<1x16xf32>
      tpu.vector_store %arg12[%swap3A_925, %swap3A_926], %swap3A_929 {strides = array<i32>} : memref<784x16xf32, #tpu.memory_space<vmem>>, vector<1x16xf32>,
      %add3A_930 = arith.constant 10 : i32
      %add3A_931 = arith.addi %mul3A_631, %add3A_930 : i32
      %get3A_932 = arith.index_cast %add3A_931 : i32 to index
      %get3A_933 = arith.constant 0 : index
      %get3A_934 = tpu.vector_load %arg8[%get3A_932, %get3A_933] {strides = array<i32>} : memref<784x16xf32, #tpu.memory_space<vmem>>, vector<1x16xf32>,
      %get3A_935 = vector.shape_cast %get3A_934 : vector<1x16xf32> to vector<16xf32>
      %get3A_936 = arith.index_cast %add3A_931 : i32 to index
      %get3A_937 = arith.constant 0 : index
      %get3A_938 = tpu.vector_load %arg9[%get3A_936, %get3A_937] {strides = array<i32>} : memref<784x16xf32, #tpu.memory_space<vmem>>, vector<1x16xf32>,
      %get3A_939 = vector.shape_cast %get3A_938 : vector<1x16xf32> to vector<16xf32>
      %sub3A_940 = arith.subf %get3A_935, %get3A_939 : vector<16xf32>
      %get3A_941 = arith.index_cast %add3A_931 : i32 to index
      %get3A_942 = arith.constant 0 : index
      %get3A_943 = tpu.vector_load %arg10[%get3A_941, %get3A_942] {strides = array<i32>} : memref<784x16xf32, #tpu.memory_space<vmem>>, vector<1x16xf32>,
      %get3A_944 = vector.shape_cast %get3A_943 : vector<1x16xf32> to vector<16xf32>
      %get3A_945 = arith.index_cast %add3A_931 : i32 to index
      %get3A_946 = arith.constant 0 : index
      %get3A_947 = tpu.vector_load %arg11[%get3A_945, %get3A_946] {strides = array<i32>} : memref<784x16xf32, #tpu.memory_space<vmem>>, vector<1x16xf32>,
      %get3A_948 = vector.shape_cast %get3A_947 : vector<1x16xf32> to vector<16xf32>
      %sub3A_949 = arith.subf %get3A_944, %get3A_948 : vector<16xf32>
      %sub3A_950 = arith.subf %sub3A_940, %sub3A_949 : vector<16xf32>
      %slice3A_951 = vector.extract_strided_slice %get3A_633 {offsets = [10], sizes = [1], strides = [1]} : vector<16xf32> to vector<1xf32>
      %squeeze3A_952 = vector.extract %slice3A_951[0] : f32 from vector<1xf32>
      %mul3A_953 = vector.broadcast %squeeze3A_952 : f32 to vector<16xf32>
      %mul3A_954 = arith.mulf %sub3A_950, %mul3A_953 : vector<16xf32>
      %swap3A_955 = arith.index_cast %add3A_931 : i32 to index
      %swap3A_956 = arith.constant 0 : index
      %swap3A_957 = tpu.vector_load %arg12[%swap3A_955, %swap3A_956] {strides = array<i32>} : memref<784x16xf32, #tpu.memory_space<vmem>>, vector<1x16xf32>,
      %swap3A_958 = vector.shape_cast %swap3A_957 : vector<1x16xf32> to vector<16xf32>
      %swap3A_959 = vector.shape_cast %mul3A_954 : vector<16xf32> to vector<1x16xf32>
      tpu.vector_store %arg12[%swap3A_955, %swap3A_956], %swap3A_959 {strides = array<i32>} : memref<784x16xf32, #tpu.memory_space<vmem>>, vector<1x16xf32>,
      %add3A_960 = arith.constant 11 : i32
      %add3A_961 = arith.addi %mul3A_631, %add3A_960 : i32
      %get3A_962 = arith.index_cast %add3A_961 : i32 to index
      %get3A_963 = arith.constant 0 : index
      %get3A_964 = tpu.vector_load %arg8[%get3A_962, %get3A_963] {strides = array<i32>} : memref<784x16xf32, #tpu.memory_space<vmem>>, vector<1x16xf32>,
      %get3A_965 = vector.shape_cast %get3A_964 : vector<1x16xf32> to vector<16xf32>
      %get3A_966 = arith.index_cast %add3A_961 : i32 to index
      %get3A_967 = arith.constant 0 : index
      %get3A_968 = tpu.vector_load %arg9[%get3A_966, %get3A_967] {strides = array<i32>} : memref<784x16xf32, #tpu.memory_space<vmem>>, vector<1x16xf32>,
      %get3A_969 = vector.shape_cast %get3A_968 : vector<1x16xf32> to vector<16xf32>
      %sub3A_970 = arith.subf %get3A_965, %get3A_969 : vector<16xf32>
      %get3A_971 = arith.index_cast %add3A_961 : i32 to index
      %get3A_972 = arith.constant 0 : index
      %get3A_973 = tpu.vector_load %arg10[%get3A_971, %get3A_972] {strides = array<i32>} : memref<784x16xf32, #tpu.memory_space<vmem>>, vector<1x16xf32>,
      %get3A_974 = vector.shape_cast %get3A_973 : vector<1x16xf32> to vector<16xf32>
      %get3A_975 = arith.index_cast %add3A_961 : i32 to index
      %get3A_976 = arith.constant 0 : index
      %get3A_977 = tpu.vector_load %arg11[%get3A_975, %get3A_976] {strides = array<i32>} : memref<784x16xf32, #tpu.memory_space<vmem>>, vector<1x16xf32>,
      %get3A_978 = vector.shape_cast %get3A_977 : vector<1x16xf32> to vector<16xf32>
      %sub3A_979 = arith.subf %get3A_974, %get3A_978 : vector<16xf32>
      %sub3A_980 = arith.subf %sub3A_970, %sub3A_979 : vector<16xf32>
      %slice3A_981 = vector.extract_strided_slice %get3A_633 {offsets = [11], sizes = [1], strides = [1]} : vector<16xf32> to vector<1xf32>
      %squeeze3A_982 = vector.extract %slice3A_981[0] : f32 from vector<1xf32>
      %mul3A_983 = vector.broadcast %squeeze3A_982 : f32 to vector<16xf32>
      %mul3A_984 = arith.mulf %sub3A_980, %mul3A_983 : vector<16xf32>
      %swap3A_985 = arith.index_cast %add3A_961 : i32 to index
      %swap3A_986 = arith.constant 0 : index
      %swap3A_987 = tpu.vector_load %arg12[%swap3A_985, %swap3A_986] {strides = array<i32>} : memref<784x16xf32, #tpu.memory_space<vmem>>, vector<1x16xf32>,
      %swap3A_988 = vector.shape_cast %swap3A_987 : vector<1x16xf32> to vector<16xf32>
      %swap3A_989 = vector.shape_cast %mul3A_984 : vector<16xf32> to vector<1x16xf32>
      tpu.vector_store %arg12[%swap3A_985, %swap3A_986], %swap3A_989 {strides = array<i32>} : memref<784x16xf32, #tpu.memory_space<vmem>>, vector<1x16xf32>,
      %add3A_990 = arith.constant 12 : i32
      %add3A_991 = arith.addi %mul3A_631, %add3A_990 : i32
      %get3A_992 = arith.index_cast %add3A_991 : i32 to index
      %get3A_993 = arith.constant 0 : index
      %get3A_994 = tpu.vector_load %arg8[%get3A_992, %get3A_993] {strides = array<i32>} : memref<784x16xf32, #tpu.memory_space<vmem>>, vector<1x16xf32>,
      %get3A_995 = vector.shape_cast %get3A_994 : vector<1x16xf32> to vector<16xf32>
      %get3A_996 = arith.index_cast %add3A_991 : i32 to index
      %get3A_997 = arith.constant 0 : index
      %get3A_998 = tpu.vector_load %arg9[%get3A_996, %get3A_997] {strides = array<i32>} : memref<784x16xf32, #tpu.memory_space<vmem>>, vector<1x16xf32>,
      %get3A_999 = vector.shape_cast %get3A_998 : vector<1x16xf32> to vector<16xf32>
      %sub3A_1000 = arith.subf %get3A_995, %get3A_999 : vector<16xf32>
      %get3A_1001 = arith.index_cast %add3A_991 : i32 to index
      %get3A_1002 = arith.constant 0 : index
      %get3A_1003 = tpu.vector_load %arg10[%get3A_1001, %get3A_1002] {strides = array<i32>} : memref<784x16xf32, #tpu.memory_space<vmem>>, vector<1x16xf32>,
      %get3A_1004 = vector.shape_cast %get3A_1003 : vector<1x16xf32> to vector<16xf32>
      %get3A_1005 = arith.index_cast %add3A_991 : i32 to index
      %get3A_1006 = arith.constant 0 : index
      %get3A_1007 = tpu.vector_load %arg11[%get3A_1005, %get3A_1006] {strides = array<i32>} : memref<784x16xf32, #tpu.memory_space<vmem>>, vector<1x16xf32>,
      %get3A_1008 = vector.shape_cast %get3A_1007 : vector<1x16xf32> to vector<16xf32>
      %sub3A_1009 = arith.subf %get3A_1004, %get3A_1008 : vector<16xf32>
      %sub3A_1010 = arith.subf %sub3A_1000, %sub3A_1009 : vector<16xf32>
      %slice3A_1011 = vector.extract_strided_slice %get3A_633 {offsets = [12], sizes = [1], strides = [1]} : vector<16xf32> to vector<1xf32>
      %squeeze3A_1012 = vector.extract %slice3A_1011[0] : f32 from vector<1xf32>
      %mul3A_1013 = vector.broadcast %squeeze3A_1012 : f32 to vector<16xf32>
      %mul3A_1014 = arith.mulf %sub3A_1010, %mul3A_1013 : vector<16xf32>
      %swap3A_1015 = arith.index_cast %add3A_991 : i32 to index
      %swap3A_1016 = arith.constant 0 : index
      %swap3A_1017 = tpu.vector_load %arg12[%swap3A_1015, %swap3A_1016] {strides = array<i32>} : memref<784x16xf32, #tpu.memory_space<vmem>>, vector<1x16xf32>,
      %swap3A_1018 = vector.shape_cast %swap3A_1017 : vector<1x16xf32> to vector<16xf32>
      %swap3A_1019 = vector.shape_cast %mul3A_1014 : vector<16xf32> to vector<1x16xf32>
      tpu.vector_store %arg12[%swap3A_1015, %swap3A_1016], %swap3A_1019 {strides = array<i32>} : memref<784x16xf32, #tpu.memory_space<vmem>>, vector<1x16xf32>,
      %add3A_1020 = arith.constant 13 : i32
      %add3A_1021 = arith.addi %mul3A_631, %add3A_1020 : i32
      %get3A_1022 = arith.index_cast %add3A_1021 : i32 to index
      %get3A_1023 = arith.constant 0 : index
      %get3A_1024 = tpu.vector_load %arg8[%get3A_1022, %get3A_1023] {strides = array<i32>} : memref<784x16xf32, #tpu.memory_space<vmem>>, vector<1x16xf32>,
      %get3A_1025 = vector.shape_cast %get3A_1024 : vector<1x16xf32> to vector<16xf32>
      %get3A_1026 = arith.index_cast %add3A_1021 : i32 to index
      %get3A_1027 = arith.constant 0 : index
      %get3A_1028 = tpu.vector_load %arg9[%get3A_1026, %get3A_1027] {strides = array<i32>} : memref<784x16xf32, #tpu.memory_space<vmem>>, vector<1x16xf32>,
      %get3A_1029 = vector.shape_cast %get3A_1028 : vector<1x16xf32> to vector<16xf32>
      %sub3A_1030 = arith.subf %get3A_1025, %get3A_1029 : vector<16xf32>
      %get3A_1031 = arith.index_cast %add3A_1021 : i32 to index
      %get3A_1032 = arith.constant 0 : index
      %get3A_1033 = tpu.vector_load %arg10[%get3A_1031, %get3A_1032] {strides = array<i32>} : memref<784x16xf32, #tpu.memory_space<vmem>>, vector<1x16xf32>,
      %get3A_1034 = vector.shape_cast %get3A_1033 : vector<1x16xf32> to vector<16xf32>
      %get3A_1035 = arith.index_cast %add3A_1021 : i32 to index
      %get3A_1036 = arith.constant 0 : index
      %get3A_1037 = tpu.vector_load %arg11[%get3A_1035, %get3A_1036] {strides = array<i32>} : memref<784x16xf32, #tpu.memory_space<vmem>>, vector<1x16xf32>,
      %get3A_1038 = vector.shape_cast %get3A_1037 : vector<1x16xf32> to vector<16xf32>
      %sub3A_1039 = arith.subf %get3A_1034, %get3A_1038 : vector<16xf32>
      %sub3A_1040 = arith.subf %sub3A_1030, %sub3A_1039 : vector<16xf32>
      %slice3A_1041 = vector.extract_strided_slice %get3A_633 {offsets = [13], sizes = [1], strides = [1]} : vector<16xf32> to vector<1xf32>
      %squeeze3A_1042 = vector.extract %slice3A_1041[0] : f32 from vector<1xf32>
      %mul3A_1043 = vector.broadcast %squeeze3A_1042 : f32 to vector<16xf32>
      %mul3A_1044 = arith.mulf %sub3A_1040, %mul3A_1043 : vector<16xf32>
      %swap3A_1045 = arith.index_cast %add3A_1021 : i32 to index
      %swap3A_1046 = arith.constant 0 : index
      %swap3A_1047 = tpu.vector_load %arg12[%swap3A_1045, %swap3A_1046] {strides = array<i32>} : memref<784x16xf32, #tpu.memory_space<vmem>>, vector<1x16xf32>,
      %swap3A_1048 = vector.shape_cast %swap3A_1047 : vector<1x16xf32> to vector<16xf32>
      %swap3A_1049 = vector.shape_cast %mul3A_1044 : vector<16xf32> to vector<1x16xf32>
      tpu.vector_store %arg12[%swap3A_1045, %swap3A_1046], %swap3A_1049 {strides = array<i32>} : memref<784x16xf32, #tpu.memory_space<vmem>>, vector<1x16xf32>,
      %add3A_1050 = arith.constant 14 : i32
      %add3A_1051 = arith.addi %mul3A_631, %add3A_1050 : i32
      %get3A_1052 = arith.index_cast %add3A_1051 : i32 to index
      %get3A_1053 = arith.constant 0 : index
      %get3A_1054 = tpu.vector_load %arg8[%get3A_1052, %get3A_1053] {strides = array<i32>} : memref<784x16xf32, #tpu.memory_space<vmem>>, vector<1x16xf32>,
      %get3A_1055 = vector.shape_cast %get3A_1054 : vector<1x16xf32> to vector<16xf32>
      %get3A_1056 = arith.index_cast %add3A_1051 : i32 to index
      %get3A_1057 = arith.constant 0 : index
      %get3A_1058 = tpu.vector_load %arg9[%get3A_1056, %get3A_1057] {strides = array<i32>} : memref<784x16xf32, #tpu.memory_space<vmem>>, vector<1x16xf32>,
      %get3A_1059 = vector.shape_cast %get3A_1058 : vector<1x16xf32> to vector<16xf32>
      %sub3A_1060 = arith.subf %get3A_1055, %get3A_1059 : vector<16xf32>
      %get3A_1061 = arith.index_cast %add3A_1051 : i32 to index
      %get3A_1062 = arith.constant 0 : index
      %get3A_1063 = tpu.vector_load %arg10[%get3A_1061, %get3A_1062] {strides = array<i32>} : memref<784x16xf32, #tpu.memory_space<vmem>>, vector<1x16xf32>,
      %get3A_1064 = vector.shape_cast %get3A_1063 : vector<1x16xf32> to vector<16xf32>
      %get3A_1065 = arith.index_cast %add3A_1051 : i32 to index
      %get3A_1066 = arith.constant 0 : index
      %get3A_1067 = tpu.vector_load %arg11[%get3A_1065, %get3A_1066] {strides = array<i32>} : memref<784x16xf32, #tpu.memory_space<vmem>>, vector<1x16xf32>,
      %get3A_1068 = vector.shape_cast %get3A_1067 : vector<1x16xf32> to vector<16xf32>
      %sub3A_1069 = arith.subf %get3A_1064, %get3A_1068 : vector<16xf32>
      %sub3A_1070 = arith.subf %sub3A_1060, %sub3A_1069 : vector<16xf32>
      %slice3A_1071 = vector.extract_strided_slice %get3A_633 {offsets = [14], sizes = [1], strides = [1]} : vector<16xf32> to vector<1xf32>
      %squeeze3A_1072 = vector.extract %slice3A_1071[0] : f32 from vector<1xf32>
      %mul3A_1073 = vector.broadcast %squeeze3A_1072 : f32 to vector<16xf32>
      %mul3A_1074 = arith.mulf %sub3A_1070, %mul3A_1073 : vector<16xf32>
      %swap3A_1075 = arith.index_cast %add3A_1051 : i32 to index
      %swap3A_1076 = arith.constant 0 : index
      %swap3A_1077 = tpu.vector_load %arg12[%swap3A_1075, %swap3A_1076] {strides = array<i32>} : memref<784x16xf32, #tpu.memory_space<vmem>>, vector<1x16xf32>,
      %swap3A_1078 = vector.shape_cast %swap3A_1077 : vector<1x16xf32> to vector<16xf32>
      %swap3A_1079 = vector.shape_cast %mul3A_1074 : vector<16xf32> to vector<1x16xf32>
      tpu.vector_store %arg12[%swap3A_1075, %swap3A_1076], %swap3A_1079 {strides = array<i32>} : memref<784x16xf32, #tpu.memory_space<vmem>>, vector<1x16xf32>,
      %add3A_1080 = arith.constant 15 : i32
      %add3A_1081 = arith.addi %mul3A_631, %add3A_1080 : i32
      %get3A_1082 = arith.index_cast %add3A_1081 : i32 to index
      %get3A_1083 = arith.constant 0 : index
      %get3A_1084 = tpu.vector_load %arg8[%get3A_1082, %get3A_1083] {strides = array<i32>} : memref<784x16xf32, #tpu.memory_space<vmem>>, vector<1x16xf32>,
      %get3A_1085 = vector.shape_cast %get3A_1084 : vector<1x16xf32> to vector<16xf32>
      %get3A_1086 = arith.index_cast %add3A_1081 : i32 to index
      %get3A_1087 = arith.constant 0 : index
      %get3A_1088 = tpu.vector_load %arg9[%get3A_1086, %get3A_1087] {strides = array<i32>} : memref<784x16xf32, #tpu.memory_space<vmem>>, vector<1x16xf32>,
      %get3A_1089 = vector.shape_cast %get3A_1088 : vector<1x16xf32> to vector<16xf32>
      %sub3A_1090 = arith.subf %get3A_1085, %get3A_1089 : vector<16xf32>
      %get3A_1091 = arith.index_cast %add3A_1081 : i32 to index
      %get3A_1092 = arith.constant 0 : index
      %get3A_1093 = tpu.vector_load %arg10[%get3A_1091, %get3A_1092] {strides = array<i32>} : memref<784x16xf32, #tpu.memory_space<vmem>>, vector<1x16xf32>,
      %get3A_1094 = vector.shape_cast %get3A_1093 : vector<1x16xf32> to vector<16xf32>
      %get3A_1095 = arith.index_cast %add3A_1081 : i32 to index
      %get3A_1096 = arith.constant 0 : index
      %get3A_1097 = tpu.vector_load %arg11[%get3A_1095, %get3A_1096] {strides = array<i32>} : memref<784x16xf32, #tpu.memory_space<vmem>>, vector<1x16xf32>,
      %get3A_1098 = vector.shape_cast %get3A_1097 : vector<1x16xf32> to vector<16xf32>
      %sub3A_1099 = arith.subf %get3A_1094, %get3A_1098 : vector<16xf32>
      %sub3A_1100 = arith.subf %sub3A_1090, %sub3A_1099 : vector<16xf32>
      %slice3A_1101 = vector.extract_strided_slice %get3A_633 {offsets = [15], sizes = [1], strides = [1]} : vector<16xf32> to vector<1xf32>
      %squeeze3A_1102 = vector.extract %slice3A_1101[0] : f32 from vector<1xf32>
      %mul3A_1103 = vector.broadcast %squeeze3A_1102 : f32 to vector<16xf32>
      %mul3A_1104 = arith.mulf %sub3A_1100, %mul3A_1103 : vector<16xf32>
      %swap3A_1105 = arith.index_cast %add3A_1081 : i32 to index
      %swap3A_1106 = arith.constant 0 : index
      %swap3A_1107 = tpu.vector_load %arg12[%swap3A_1105, %swap3A_1106] {strides = array<i32>} : memref<784x16xf32, #tpu.memory_space<vmem>>, vector<1x16xf32>,
      %swap3A_1108 = vector.shape_cast %swap3A_1107 : vector<1x16xf32> to vector<16xf32>
      %swap3A_1109 = vector.shape_cast %mul3A_1104 : vector<16xf32> to vector<1x16xf32>
      tpu.vector_store %arg12[%swap3A_1105, %swap3A_1106], %swap3A_1109 {strides = array<i32>} : memref<784x16xf32, #tpu.memory_space<vmem>>, vector<1x16xf32>,
      %scan3A_1110 = arith.constant 0 : i32
      scf.yield %scan3A_1110 : i32
    }
    %scan3A_627 = arith.constant 49 : i32
    "tpu.region"() ({
      %run_scoped3A_628 = tpu.sem_alloc : memref<!tpu.dma_semaphore, #tpu.memory_space<semaphore_mem>>
      %dma_start3A_629 = arith.constant 0 : i32
      %dma_start3A_630 = arith.constant 0 : i32
      %dma_start3A_631 = tpu.memref_slice %arg5[%add3A, %dma_start3A_629, %dma_start3A_630] : memref<32x784x16xf32, #tpu.memory_space<hbm>> -> memref<1x784x16xf32, #tpu.memory_space<hbm>>
      %dma_start3A_632 = tpu.memref_squeeze %dma_start3A_631 : memref<1x784x16xf32, #tpu.memory_space<hbm>> -> memref<784x16xf32, #tpu.memory_space<hbm>>
      %dma_start3A_633 = arith.constant 0 : i32
      %dma_start3A_634 = arith.constant 0 : i32
      %dma_start3A_635 = tpu.memref_slice %arg5[%add3A, %dma_start3A_633, %dma_start3A_634] : memref<32x784x16xf32, #tpu.memory_space<hbm>> -> memref<1x784x16xf32, #tpu.memory_space<hbm>>
      %dma_start3A_636 = tpu.memref_squeeze %dma_start3A_635 : memref<1x784x16xf32, #tpu.memory_space<hbm>> -> memref<784x16xf32, #tpu.memory_space<hbm>>
      tpu.enqueue_dma source(%arg12 : memref<784x16xf32, #tpu.memory_space<vmem>>) target(%dma_start3A_636 : memref<784x16xf32, #tpu.memory_space<hbm>>) target_semaphore(%run_scoped3A_628 : memref<!tpu.dma_semaphore, #tpu.memory_space<semaphore_mem>>)
      %dma_wait3A_637 = arith.constant 0 : i32
      %dma_wait3A_638 = arith.constant 0 : i32
      %dma_wait3A_639 = tpu.memref_slice %arg5[%add3A, %dma_wait3A_637, %dma_wait3A_638] : memref<32x784x16xf32, #tpu.memory_space<hbm>> -> memref<1x784x16xf32, #tpu.memory_space<hbm>>
      %dma_wait3A_640 = tpu.memref_squeeze %dma_wait3A_639 : memref<1x784x16xf32, #tpu.memory_space<hbm>> -> memref<784x16xf32, #tpu.memory_space<hbm>>
      %dma_wait3A_641 = arith.constant 0 : i32
      %dma_wait3A_642 = arith.constant 0 : i32
      %dma_wait3A_643 = tpu.memref_slice %arg5[%add3A, %dma_wait3A_641, %dma_wait3A_642] : memref<32x784x16xf32, #tpu.memory_space<hbm>> -> memref<1x784x16xf32, #tpu.memory_space<hbm>>
      %dma_wait3A_644 = tpu.memref_squeeze %dma_wait3A_643 : memref<1x784x16xf32, #tpu.memory_space<hbm>> -> memref<784x16xf32, #tpu.memory_space<hbm>>
      tpu.wait_dma2 semaphore(%run_scoped3A_628 : memref<!tpu.dma_semaphore, #tpu.memory_space<semaphore_mem>>) src(%arg12 : memref<784x16xf32, #tpu.memory_space<vmem>>) dst(%dma_wait3A_644 : memref<784x16xf32, #tpu.memory_space<hbm>>)
      tpu.yield
    }) : () -> ()
    return
  }
}

module attributes {stable_mosaic.version = 14 : i64} {
  func.func @_integral_body(%arg0: i32, %arg1: memref<1x64x64x16xf32, #tpu.memory_space<vmem>>, %arg2: memref<1x65x65x16xf32, #tpu.memory_space<vmem>>) attributes {dimension_semantics = [#tpu.dimension_semantics<arbitrary>], iteration_bounds = array<i64: 98>, scalar_prefetch = 0 : i64, scratch_operands = 0 : i64, tpu.core_type = #tpu.core_type<tc>, window_params = [{transform_indices = @transform_0, window_bounds = array<i64: 1, 64, 64, 16>}, {transform_indices = @transform_1, window_bounds = array<i64: 1, 65, 65, 16>}]} {
    %get3A = arith.constant 0 : index
    %get3A_0 = arith.constant 0 : index
    %get3A_1 = arith.constant 0 : index
    %get3A_2 = arith.constant 0 : index
    %get3A_3 = vector.load %arg1[%get3A, %get3A_0, %get3A_1, %get3A_2] : memref<1x64x64x16xf32, #tpu.memory_space<vmem>>, vector<1x64x64x16xf32>
    %get3A_4 = vector.shape_cast %get3A_3 : vector<1x64x64x16xf32> to vector<64x64x16xf32>
    %reshape3A = vector.shape_cast %get3A_4 : vector<64x64x16xf32> to vector<64x1024xf32>
    %broadcast_in_dim3A = arith.constant 0.000000e+00 : f32
    %broadcast_in_dim3A_5 = vector.broadcast %broadcast_in_dim3A : f32 to vector<1x1024xf32>
    %slice3A = vector.extract_strided_slice %reshape3A {offsets = [0, 0], sizes = [63, 1024], strides = [1, 1]} : vector<64x1024xf32> to vector<63x1024xf32>
    %concatenate3A = tpu.concatenate %broadcast_in_dim3A_5, %slice3A in 0 : vector<1x1024xf32>, vector<63x1024xf32> -> vector<64x1024xf32>
    %add3A = arith.addf %reshape3A, %concatenate3A : vector<64x1024xf32>
    %broadcast_in_dim3A_6 = arith.constant 0.000000e+00 : f32
    %broadcast_in_dim3A_7 = vector.broadcast %broadcast_in_dim3A_6 : f32 to vector<2x1024xf32>
    %slice3A_8 = vector.extract_strided_slice %add3A {offsets = [0, 0], sizes = [62, 1024], strides = [1, 1]} : vector<64x1024xf32> to vector<62x1024xf32>
    %concatenate3A_9 = tpu.concatenate %broadcast_in_dim3A_7, %slice3A_8 in 0 : vector<2x1024xf32>, vector<62x1024xf32> -> vector<64x1024xf32>
    %add3A_10 = arith.addf %add3A, %concatenate3A_9 : vector<64x1024xf32>
    %broadcast_in_dim3A_11 = arith.constant 0.000000e+00 : f32
    %broadcast_in_dim3A_12 = vector.broadcast %broadcast_in_dim3A_11 : f32 to vector<4x1024xf32>
    %slice3A_13 = vector.extract_strided_slice %add3A_10 {offsets = [0, 0], sizes = [60, 1024], strides = [1, 1]} : vector<64x1024xf32> to vector<60x1024xf32>
    %concatenate3A_14 = tpu.concatenate %broadcast_in_dim3A_12, %slice3A_13 in 0 : vector<4x1024xf32>, vector<60x1024xf32> -> vector<64x1024xf32>
    %add3A_15 = arith.addf %add3A_10, %concatenate3A_14 : vector<64x1024xf32>
    %broadcast_in_dim3A_16 = arith.constant 0.000000e+00 : f32
    %broadcast_in_dim3A_17 = vector.broadcast %broadcast_in_dim3A_16 : f32 to vector<8x1024xf32>
    %slice3A_18 = vector.extract_strided_slice %add3A_15 {offsets = [0, 0], sizes = [56, 1024], strides = [1, 1]} : vector<64x1024xf32> to vector<56x1024xf32>
    %concatenate3A_19 = tpu.concatenate %broadcast_in_dim3A_17, %slice3A_18 in 0 : vector<8x1024xf32>, vector<56x1024xf32> -> vector<64x1024xf32>
    %add3A_20 = arith.addf %add3A_15, %concatenate3A_19 : vector<64x1024xf32>
    %broadcast_in_dim3A_21 = arith.constant 0.000000e+00 : f32
    %broadcast_in_dim3A_22 = vector.broadcast %broadcast_in_dim3A_21 : f32 to vector<16x1024xf32>
    %slice3A_23 = vector.extract_strided_slice %add3A_20 {offsets = [0, 0], sizes = [48, 1024], strides = [1, 1]} : vector<64x1024xf32> to vector<48x1024xf32>
    %concatenate3A_24 = tpu.concatenate %broadcast_in_dim3A_22, %slice3A_23 in 0 : vector<16x1024xf32>, vector<48x1024xf32> -> vector<64x1024xf32>
    %add3A_25 = arith.addf %add3A_20, %concatenate3A_24 : vector<64x1024xf32>
    %broadcast_in_dim3A_26 = arith.constant 0.000000e+00 : f32
    %broadcast_in_dim3A_27 = vector.broadcast %broadcast_in_dim3A_26 : f32 to vector<32x1024xf32>
    %slice3A_28 = vector.extract_strided_slice %add3A_25 {offsets = [0, 0], sizes = [32, 1024], strides = [1, 1]} : vector<64x1024xf32> to vector<32x1024xf32>
    %concatenate3A_29 = tpu.concatenate %broadcast_in_dim3A_27, %slice3A_28 in 0 : vector<32x1024xf32>, vector<32x1024xf32> -> vector<64x1024xf32>
    %add3A_30 = arith.addf %add3A_25, %concatenate3A_29 : vector<64x1024xf32>
    %broadcast_in_dim3A_31 = arith.constant 0.000000e+00 : f32
    %broadcast_in_dim3A_32 = vector.broadcast %broadcast_in_dim3A_31 : f32 to vector<64x16xf32>
    %slice3A_33 = vector.extract_strided_slice %add3A_30 {offsets = [0, 0], sizes = [64, 1008], strides = [1, 1]} : vector<64x1024xf32> to vector<64x1008xf32>
    %concatenate3A_34 = tpu.concatenate %broadcast_in_dim3A_32, %slice3A_33 in 1 : vector<64x16xf32>, vector<64x1008xf32> -> vector<64x1024xf32>
    %add3A_35 = arith.addf %add3A_30, %concatenate3A_34 : vector<64x1024xf32>
    %broadcast_in_dim3A_36 = arith.constant 0.000000e+00 : f32
    %broadcast_in_dim3A_37 = vector.broadcast %broadcast_in_dim3A_36 : f32 to vector<64x32xf32>
    %slice3A_38 = vector.extract_strided_slice %add3A_35 {offsets = [0, 0], sizes = [64, 992], strides = [1, 1]} : vector<64x1024xf32> to vector<64x992xf32>
    %concatenate3A_39 = tpu.concatenate %broadcast_in_dim3A_37, %slice3A_38 in 1 : vector<64x32xf32>, vector<64x992xf32> -> vector<64x1024xf32>
    %add3A_40 = arith.addf %add3A_35, %concatenate3A_39 : vector<64x1024xf32>
    %broadcast_in_dim3A_41 = arith.constant 0.000000e+00 : f32
    %broadcast_in_dim3A_42 = vector.broadcast %broadcast_in_dim3A_41 : f32 to vector<64x64xf32>
    %slice3A_43 = vector.extract_strided_slice %add3A_40 {offsets = [0, 0], sizes = [64, 960], strides = [1, 1]} : vector<64x1024xf32> to vector<64x960xf32>
    %concatenate3A_44 = tpu.concatenate %broadcast_in_dim3A_42, %slice3A_43 in 1 : vector<64x64xf32>, vector<64x960xf32> -> vector<64x1024xf32>
    %add3A_45 = arith.addf %add3A_40, %concatenate3A_44 : vector<64x1024xf32>
    %broadcast_in_dim3A_46 = arith.constant 0.000000e+00 : f32
    %broadcast_in_dim3A_47 = vector.broadcast %broadcast_in_dim3A_46 : f32 to vector<64x128xf32>
    %slice3A_48 = vector.extract_strided_slice %add3A_45 {offsets = [0, 0], sizes = [64, 896], strides = [1, 1]} : vector<64x1024xf32> to vector<64x896xf32>
    %concatenate3A_49 = tpu.concatenate %broadcast_in_dim3A_47, %slice3A_48 in 1 : vector<64x128xf32>, vector<64x896xf32> -> vector<64x1024xf32>
    %add3A_50 = arith.addf %add3A_45, %concatenate3A_49 : vector<64x1024xf32>
    %broadcast_in_dim3A_51 = arith.constant 0.000000e+00 : f32
    %broadcast_in_dim3A_52 = vector.broadcast %broadcast_in_dim3A_51 : f32 to vector<64x256xf32>
    %slice3A_53 = vector.extract_strided_slice %add3A_50 {offsets = [0, 0], sizes = [64, 768], strides = [1, 1]} : vector<64x1024xf32> to vector<64x768xf32>
    %concatenate3A_54 = tpu.concatenate %broadcast_in_dim3A_52, %slice3A_53 in 1 : vector<64x256xf32>, vector<64x768xf32> -> vector<64x1024xf32>
    %add3A_55 = arith.addf %add3A_50, %concatenate3A_54 : vector<64x1024xf32>
    %broadcast_in_dim3A_56 = arith.constant 0.000000e+00 : f32
    %broadcast_in_dim3A_57 = vector.broadcast %broadcast_in_dim3A_56 : f32 to vector<64x512xf32>
    %slice3A_58 = vector.extract_strided_slice %add3A_55 {offsets = [0, 0], sizes = [64, 512], strides = [1, 1]} : vector<64x1024xf32> to vector<64x512xf32>
    %concatenate3A_59 = tpu.concatenate %broadcast_in_dim3A_57, %slice3A_58 in 1 : vector<64x512xf32>, vector<64x512xf32> -> vector<64x1024xf32>
    %add3A_60 = arith.addf %add3A_55, %concatenate3A_59 : vector<64x1024xf32>
    %broadcast_in_dim3A_61 = arith.constant 0.000000e+00 : f32
    %broadcast_in_dim3A_62 = vector.broadcast %broadcast_in_dim3A_61 : f32 to vector<64x16xf32>
    %concatenate3A_63 = tpu.concatenate %broadcast_in_dim3A_62, %add3A_60 in 1 : vector<64x16xf32>, vector<64x1024xf32> -> vector<64x1040xf32>
    %broadcast_in_dim3A_64 = arith.constant 0.000000e+00 : f32
    %broadcast_in_dim3A_65 = vector.broadcast %broadcast_in_dim3A_64 : f32 to vector<1x1040xf32>
    %concatenate3A_66 = tpu.concatenate %broadcast_in_dim3A_65, %concatenate3A_63 in 0 : vector<1x1040xf32>, vector<64x1040xf32> -> vector<65x1040xf32>
    %reshape3A_67 = vector.shape_cast %concatenate3A_66 : vector<65x1040xf32> to vector<65x65x16xf32>
    %swap3A = arith.constant 0 : index
    %swap3A_68 = arith.constant 0 : index
    %swap3A_69 = arith.constant 0 : index
    %swap3A_70 = arith.constant 0 : index
    %swap3A_71 = vector.load %arg2[%swap3A, %swap3A_68, %swap3A_69, %swap3A_70] : memref<1x65x65x16xf32, #tpu.memory_space<vmem>>, vector<1x65x65x16xf32>
    %swap3A_72 = vector.shape_cast %swap3A_71 : vector<1x65x65x16xf32> to vector<65x65x16xf32>
    %swap3A_73 = vector.shape_cast %reshape3A_67 : vector<65x65x16xf32> to vector<1x65x65x16xf32>
    tpu.vector_store %arg2[%swap3A, %swap3A_68, %swap3A_69, %swap3A_70], %swap3A_73 {strides = array<i32>} : memref<1x65x65x16xf32, #tpu.memory_space<vmem>>, vector<1x65x65x16xf32>,
    return
  }
  func.func @transform_0(%arg0: i32) -> (i32, i32, i32, i32) {
    %c0_i32 = arith.constant 0 : i32
    %c0_i32_0 = arith.constant 0 : i32
    %c0_i32_1 = arith.constant 0 : i32
    %c0_i32_2 = arith.constant 0 : i32
    return %arg0, %c0_i32, %c0_i32_0, %c0_i32_1 : i32, i32, i32, i32
  }
  func.func @transform_1(%arg0: i32) -> (i32, i32, i32, i32) {
    %c0_i32 = arith.constant 0 : i32
    %c0_i32_0 = arith.constant 0 : i32
    %c0_i32_1 = arith.constant 0 : i32
    %c0_i32_2 = arith.constant 0 : i32
    return %arg0, %c0_i32, %c0_i32_0, %c0_i32_1 : i32, i32, i32, i32
  }
}

</mosaic_0001>

<sc_bundles>
// kernel: kernel.4.cloned.1.call-start
scs
__scs_entry_jumppad:
0x0: {  	(pc) =	sbr.rel $0x88, $3  }
0x1: {  	(tag) =	ssettag $0x0;
	lr =	simm.s32 $0x1  }
0x2: {  	[smem:$0x3F9F] =	sst lr;
	_ =	strace $0xD0000000  }
0x3: {  	_ = 	snop  }
0x4: {  	_ = 	snop  }
0x5: {  	_ = 	snop  }
0x6: {  	_ = 	snop  }
0x7: {  	_ = 	snop  }
__scs_overlays_trampoline_lowered:
0x8: {  	[smem:$0x3FAE] =	sst s0  }
0x9: {  	[smem:$0x3FAF] =	sst s1  }
0xa: {  	[smem:$0x3FB0] =	sst s2  }
0xb: {  	[smem:$0x3FB1] =	sst s3  }
0xc: {  	[smem:$0x3FB2] =	sst s4  }
0xd: {  	[smem:$0x3FB3] =	sst s5  }
0xe: {  	[smem:$0x3FB4] =	sst s6  }
0xf: {  	[smem:$0x3FB5] =	sst s7  }
0x10: {  	[smem:$0x3FB6] =	sst s8  }
0x11: {  	[smem:$0x3FB7] =	sst s9;
	s0 =	simm.s32 @!p0 $0x0  }
0x12: {  	s1 =	sld [smem:$0x3F9D];
	s0 =	simm.s32 @p0 $0x1  }
0x13: {  	[smem:$0x3FB8] =	sst s0;
	s0 =	simm.s32 @!p1 $0x0  }
0x14: {  	s2 =	sld [smem:$0x3F9C];
	s0 =	simm.s32 @p1 $0x1  }
0x15: {  	[smem:$0x3FB9] =	sst s0;
	s0 =	simm.s32 @!p2 $0x0  }
0x16: {  	s3 =	sld [smem:$0x3FDB];
	s0 =	simm.s32 @p2 $0x1  }
0x17: {  	s4 =	simm.s32 $0x1BF5;
	[smem:$0x3FBB] =	sst s0  }
0x18: {  	s0 =	sld [smem:$0x3F9E];
	_ =	swait.ge [sflag:s4], $0x0  }
0x19: {  	s7 =	sld [smem:$0x3F9F]  }
0x1a: {  	s8 =	sadd.s32 $0xFFFFE003, lr  }
0x1b: {  	s9 =	sadd.s32 $0xFFFFFEF7, lr;
	s5 =	simm.s32 $0xFFFFFFFF;
	p2 =	slt.u32 s8, $0xFFFFF086  }
0x1c: {  	p1 =	slt.u32 s9, $0xF7A;
	s5 =	simm.s32 @!p2 $0x0  }
0x1d: {  	s5 =	simm.s32 @p1 $0x1;
	p0 =	seq.s32 s7, s2  }
0x1e: {  	s7 =	smul.u32 @!p0 $0xF7A, s2;
	p2 =	seq.s32 @!p0 s5, $0x0  }
0x1f: {  	s9 =	smul.u32 $0xF7A, s1;
	s8 =	simm.s32 @!p0 $0x1BF5;
	p2 =	por !p2, p0  }
0x20: {  	[sflag:s8] =	ssyncset.s32 @!p0 $0xFFFFF086;
	s6 =	sadd.s32 @!p0 s3, s7;
	s7 =	simm.s32 @!p0 $0x108  }
0x21: {  	s3 =	sadd.s32 s3, s9;
	s6 =	sadd.s32 @!p0 $0x88, s6;
	s7 =	simm.s32 @p2 $0x1082  }
0x22: {  	[simem:s7], [sflag:s8] =	dma.local @!p0 [hbm:s6], $0xF7A  }
0x23: {  	s9 =	sor.u32 $0xD0000000, s2;
	s6 =	simm.s32 $0x108;
	_ =	swait.ge @!p0 [sflag:s8], $0x0  }
0x24: {  	s3 =	sadd.s32 $0x88, s3;
	s6 =	simm.s32 @!p1 $0x1082;
	[sflag:s4] =	ssyncset.s32 $0xFFFFF086  }
0x25: {  	[simem:s6], [sflag:s4] =	dma.local [hbm:s3], $0xF7A  }
0x26: {  	[smem:$0x3F9F] =	sst s1;
	(tag) =	ssettag s2;
	_ =	strace s9  }
0x27: {  	s1 =	sld [smem:$0x3FAF]  }
0x28: {  	s2 =	sld [smem:$0x3FB0]  }
0x29: {  	s4 =	sld [smem:$0x3FB2]  }
0x2a: {  	p0 =	seq.s32 s5, $0x0;
	s5 =	sld [smem:$0x3FB3]  }
0x2b: {  	s6 =	sld [smem:$0x3FB4]  }
0x2c: {  	s7 =	sld [smem:$0x3FB5]  }
0x2d: {  	s3 =	simm.s32 $0x108;
	s8 =	sld [smem:$0x3FB6]  }
0x2e: {  	s3 =	simm.s32 @!p0 $0x1082;
	s9 =	sld [smem:$0x3FB7]  }
0x2f: {  	lr =	sadd.s32 s0, s3;
	s0 =	sld [smem:$0x3FAE]  }
0x30: {  	s3 =	sld [smem:$0x3FB1]  }
0x31: {  	[smem:$0x3FBA] =	sst s10  }
0x32: {  	s10 =	sld [smem:$0x3FB8];
	_ =	sdelay $0x3  }
0x33: {  	p0 =	seq.s32 s10, $0x1;
	s10 =	sld [smem:$0x3FBA];
	_ =	sdelay $0x3  }
0x34: {  	[smem:$0x3FBA] =	sst s10  }
0x35: {  	s10 =	sld [smem:$0x3FB9];
	_ =	sdelay $0x3  }
0x36: {  	p1 =	seq.s32 s10, $0x1;
	s10 =	sld [smem:$0x3FBA];
	_ =	sdelay $0x3  }
0x37: {  	[smem:$0x3FBA] =	sst s10  }
0x38: {  	s10 =	sld [smem:$0x3FBB]  }
0x39: {  	_ = 	snop;
	(pc) =	sbr.ind lr, $3  }
0x3a: {  	_ = 	snop  }
0x3b: {  	_ = 	snop  }
0x3c: {  	p2 =	seq.s32 s10, $0x1;
	s10 =	sld [smem:$0x3FBA]  }
0x3d: {  	_ =	shalt  }
0x3e: {  	_ =	shalt  }
0x3f: {  	_ =	shalt  }
0x40: {  	_ =	shalt  }
0x41: {  	_ =	shalt  }
0x42: {  	_ =	shalt  }
0x43: {  	_ =	shalt  }
0x44: {  	_ =	shalt  }
0x45: {  	_ =	shalt  }
0x46: {  	_ =	shalt  }
0x47: {  	_ =	shalt  }
0x48: {  	_ =	shalt  }
0x49: {  	_ =	shalt  }
0x4a: {  	_ =	shalt  }
0x4b: {  	_ =	shalt  }
0x4c: {  	_ =	shalt  }
0x4d: {  	_ =	shalt  }
0x4e: {  	_ =	shalt  }
0x4f: {  	_ =	shalt  }
0x50: {  	_ =	shalt  }
0x51: {  	_ =	shalt  }
0x52: {  	_ =	shalt  }
0x53: {  	_ =	shalt  }
0x54: {  	_ =	shalt  }
0x55: {  	_ =	shalt  }
0x56: {  	_ =	shalt  }
0x57: {  	_ =	shalt  }
0x58: {  	_ =	shalt  }
0x59: {  	_ =	shalt  }
0x5a: {  	_ =	shalt  }
0x5b: {  	_ =	shalt  }
0x5c: {  	_ =	shalt  }
0x5d: {  	_ =	shalt  }
0x5e: {  	_ =	shalt  }
0x5f: {  	_ =	shalt  }
0x60: {  	_ =	shalt  }
0x61: {  	_ =	shalt  }
0x62: {  	_ =	shalt  }
0x63: {  	_ =	shalt  }
0x64: {  	_ =	shalt  }
0x65: {  	_ =	shalt  }
0x66: {  	_ =	shalt  }
0x67: {  	_ =	shalt  }
0x68: {  	_ =	shalt  }
0x69: {  	_ =	shalt  }
0x6a: {  	_ =	shalt  }
0x6b: {  	_ =	shalt  }
0x6c: {  	_ =	shalt  }
0x6d: {  	_ =	shalt  }
0x6e: {  	_ =	shalt  }
0x6f: {  	_ =	shalt  }
0x70: {  	_ =	shalt  }
0x71: {  	_ =	shalt  }
0x72: {  	_ =	shalt  }
0x73: {  	_ =	shalt  }
0x74: {  	_ =	shalt  }
0x75: {  	_ =	shalt  }
0x76: {  	_ =	shalt  }
0x77: {  	_ =	shalt  }
0x78: {  	_ =	shalt  }
0x79: {  	_ =	shalt  }
0x7a: {  	_ =	shalt  }
0x7b: {  	_ =	shalt  }
0x7c: {  	_ =	shalt  }
0x7d: {  	_ =	shalt  }
0x7e: {  	_ =	shalt  }
0x7f: {  	_ =	shalt  }
0x80: {  	_ =	shalt  }
0x81: {  	_ =	shalt  }
0x82: {  	_ =	shalt  }
0x83: {  	_ =	shalt  }
0x84: {  	_ =	shalt  }
0x85: {  	_ =	shalt  }
0x86: {  	_ =	shalt  }
0x87: {  	_ =	shalt  }
.Lfunc_end0:
.L_simem_size_0:
called_computation_lowered:
.L_overlay_start_0:
0x88: {  	s2 =	sld [smem:$0x3FD9]  }
0x89: {  	s3 =	sld [smem:$0x3FFE];
	_ =	sdelay $0x1  }
0x8a: {  	s1 =	srdreg.scid  }
0x8b: {  	s0 =	sand.u32 $0x1, s1  }
0x8c: {  	s17 =	sshll.u32 s0, $0xA;
	s2 =	sadd.s32 s3, s2  }
0x8d: {  	s2 =	sadd.s32 s2, s17  }
0x8e: {  	[smem:$0x3FC6] =	sst s2  }
0x8f: {  	_ = 	snop  }
0x90: {  	s2 =	sld [smem:$0x3FD0];
	(tm) =	ssettm $0x1  }
0x91: {  	s18 =	sld [smem:$0x3FFB];
	_ =	sdelay $0x3  }
0x92: {  	_ =	strace s18  }
0x93: {  	s3 =	sld [smem:$0x3FFC];
	_ =	sdelay $0x3  }
0x94: {  	_ =	strace s3  }
0x95: {  	s3 =	sld [smem:$0x3FFD];
	_ =	sdelay $0x3  }
0x96: {  	_ =	strace s3  }
0x97: {  	_ =	strace $0x8FFFFFFF  }
0x98: {  	s19 =	sld [smem:$0x3FDB];
	_ =	sdelay $0x1  }
0x99: {  	s4 =	simm.s32 $_scs_section_size  }
0x9a: {  	s5 =	simm.s32 $_size__tile_overlayer_lowered;
	s6 =	simm.s32 $_tile_overlayer_lowered  }
0x9b: {  	s22 =	simm.s32 $0x1BFF;
	s21 =	sshll.u32 s6, $0x1;
	s3 =	sadd.s32 s4, s19  }
0x9c: {  	s7 =	simm.s32 $0x0;
	s20 =	sshll.u32 s5, $0x1;
	s5 =	sadd.s32 s21, s3  }
0x9d: {  	[timem:s7], [sflag:s22] =	dma.local [hbm:s5], s20  }
0x9e: {  	_ =	swait.ge [sflag:s22], s20  }
0x9f: {  	s4 =	ssub.s32 $0x0, s20;
	[sflag:s22] =	ssyncset.done $0x0  }
0xa0: {  	[sflag:s22] =	ssyncadd.s32 s4;
	_ =	sdelay $0x1  }
0xa1: {  	s23 =	simm.s32 $0x1B8B  }
0xa2: {  	_ =	swait.ge [sflag:s23], $0x1  }
0xa3: {  	[sflag:s23] =	ssyncset.done $0x0  }
0xa4: {  	s25 =	simm.s32 $0x1B8E;
	s24 =	sld [smem:$0x3FFE];
	[sflag:s23] =	ssyncadd.s32 $0xFFFFFFFF  }
0xa5: {  	s26 =	simm.s32 $execute0_lowered;
	[smem:$0x3FD2] =	sst s25  }
0xa6: {  	s5 =	sshll.u32 s26, $0x1;
	_ =	strace $0x80000046;
	[dreg:$0x1] =	wrdreg $0xFFFFFFFF  }
0xa7: {  	s28 =	simm.s32 $_size_execute0_lowered;
	s3 =	sadd.s32 s3, s5;
	[dreg:$0x0] =	wrdreg $0x0  }
0xa8: {  	s5 =	sshll.u32 s28, $0x1;
	[dreg:$0x2] =	wrdreg s3  }
0xa9: {  	[dreg:$0x3] =	wrdreg s5  }
0xaa: {  	[dreg:$0x4] =	wrdreg $0xC0  }
0xab: {  	_ =	task [dreg:s7], $0x5FFFF  }
0xac: {  	[dreg:$0x1] =	wrdreg $0xFFFFFFFF  }
0xad: {  	[dreg:$0x0] =	wrdreg $0x60  }
0xae: {  	[dreg:$0x2] =	wrdreg s24  }
0xaf: {  	[dreg:$0x3] =	wrdreg s2  }
0xb0: {  	[dreg:$0x4] =	wrdreg $0x9  }
0xb1: {  	_ =	task.clear_ibuf [dreg:s7], $0x5FFFF;
	_ =	strace $0x90000046  }
0xb2: {  	s29 =	simm.s32 $0x9;
	_ =	strace $0x80000048  }
0xb3: {  	_ =	swait.ge [sflag:s29], $0x1  }
0xb4: {  	[sflag:s29] =	ssyncadd.s32 $0xFFFFFFFF  }
0xb5: {  	_ =	strace $0x90000048  }
0xb6: {  	_ =	sfence  }
0xb7: {  	s30 =	sld [smem:$0x0];
	_ =	sdelay $0x2  }
0xb8: {  	s31 =	sshll.u32 s1, $0xD;
	s1 =	sshrl.u32 s1, $0x2  }
0xb9: {  	s3 =	sand.u32 $0x4000, s31;
	s1 =	sadd.s32 s1, s30  }
0xba: {  	s0 =	sor.u32 s3, s0;
	s1 =	sshll.u32 s1, $0x11  }
0xbb: {  	s0 =	sor.u32 s1, s0  }
0xbc: {  	s0 =	sadd.s32 $0x8F2B, s0  }
0xbd: {  	[sflag:s0] =	ssyncadd.remote.s32 $0x1  }
0xbe: {  	_ =	sfence.sel $0xFFFF  }
0xbf: {  	[dreg:$0x0] =	wrdreg $0xFFFFFFFF;
	(pc) =	sbr.abs _section_cstart, $3  }
0xc0: {  	[dreg:$0x1] =	wrdreg $0xFFFFFFFF  }
0xc1: {  	_ =	task.clear_ibuf [dreg:s7], $0x2FFFF;
	_ =	strace $0x9FFFFFFF  }
0xc2: {  	(tm) =	ssettm $0x7FFFFFFF  }
0xc3: {  	_ =	shalt  }
tec
execute0_lowered:
.L_overlay_start_1:
0x0: {  	(tag) =	ssettag $0x1  }
0x1: {  	s0 =	srdreg.scid;
	s1 =	rddreg [dreg:$0x0]  }
0x2: {  	s2 =	stileid.u32;
	s4 =	rddreg [dreg:$0x1];
	s11 =	simm.s32 $0x2  }
0x3: {  	s12 =	simm.s32 $0x310;
	s13 =	simm.s32 $0x620;
	s14 =	simm.s32 $0x930  }
0x4: {  	s15 =	simm.s32 $0x70;
	s23 =	simm.s32 $0xA10;
	s24 =	simm.s32 $0xB050  }
0x5: {  	s25 =	simm.s32 $0xA80;
	s28 =	simm.s32 $0xAF0;
	s29 =	simm.s32 $0xBE50  }
0x6: {  	s30 =	simm.s32 $0xB60;
	s31 =	simm.s32 $0xC550;
	s16 =	simm.s32 $0x1  }
0x7: {  	s17 =	simm.s32 $0xD350;
	s0 =	sand.u32 $0x1, s0;
	s2 =	sshll.u32 s2, $0x1  }
0x8: {  	s18 =	simm.s32 $0x0;
	s3 =	sor.u32 s0, s2;
	s2 =	simm.s32 $0x0  }
0x9: {  	s0 =	ssub.s32 $0x2, s0;
	s5 =	smul.u32 $0x310, s3;
	[smem:$0x7FF] =	sst s2  }
0xa: {  	s6 =	smul.u32 $0x620, s3;
	s3 =	sadd.s32 $0x2600, s1;
	s26 =	sshrl.u32 s0, $0x1  }
0xb: {  	_ =	strace $0x80000047;
	s0 =	ssub.s32 s0, s26;
	s26 =	simm.s32 $0xB750  }
0xc: {  	s5 =	sshrl.u32 s5, $0x3;
	s10 =	smax.u32 s0, $0x1;
	s0 =	simm.s32 $0xCC50  }
0xd: {  	s8 =	sadd.s32 s5, s1;
	s1 =	sadd.s32 s6, s1;
	s4 =	sadd.s32 s4, s5  }
0xe: {  	s5 =	sadd.s32 $0xC40, s4;
	s6 =	sadd.s32 $0x1880, s4;
	s7 =	sadd.s32 $0x24C0, s4  }
0xf: {  	s8 =	sadd.s32 $0xCCA00, s8;
	s9 =	sadd.s32 $0xCD800, s1;
	s1 =	simm.s32 $0xBD0  }
.LBB2_1:
0x10: {  	[tilespmem:s2], [sflag:$0x2] =	stream.linear.gather [hbm4b:s4+s2], $0x310, $0x38;
	[tilespmem:$0x10450] =	vst v63  }
0x11: {  	_ =	swait.ge [sflag:s11], $0x310  }
0x12: {  	[sflag:s11] =	ssyncset.done $0x0  }
0x13: {  	[sflag:s11] =	ssyncadd.s32 $0xFFFFFCF0  }
0x14: {  	[tilespmem:s12], [sflag:$0x2] =	stream.linear.gather [hbm4b:s5+s2], $0x310, $0x38;
	[tilespmem:$0x10450] =	vst v63  }
0x15: {  	_ =	swait.ge [sflag:s11], $0x310  }
0x16: {  	[sflag:s11] =	ssyncset.done $0x0  }
0x17: {  	[sflag:s11] =	ssyncadd.s32 $0xFFFFFCF0  }
0x18: {  	[tilespmem:s13], [sflag:$0x2] =	stream.linear.gather [hbm4b:s6+s2], $0x310, $0x38;
	[tilespmem:$0x10450] =	vst v63  }
0x19: {  	_ =	swait.ge [sflag:s11], $0x310  }
0x1a: {  	[sflag:s11] =	ssyncset.done $0x0  }
0x1b: {  	[sflag:s11] =	ssyncadd.s32 $0xFFFFFCF0  }
0x1c: {  	[tilespmem:s14], [sflag:$0x2] =	stream.linear.gather [hbm4b:s7+s2], $0x310, $0x38;
	[tilespmem:$0x10450] =	vst v63  }
0x1d: {  	_ =	swait.ge [sflag:s11], $0x310  }
0x1e: {  	[sflag:s11] =	ssyncset.done $0x0  }
0x1f: {  	s19 =	simm.s32 $0xC40;
	[sflag:s11] =	ssyncadd.s32 $0xFFFFFCF0  }
0x20: {  	[tilespmem:s19], [sflag:$0x2] =	stream.linear.gather [hbm4b:s8+s2], $0x310, $0x38;
	[tilespmem:$0x10450] =	vst v63  }
0x21: {  	_ =	swait.ge [sflag:s11], $0x310  }
0x22: {  	[sflag:s11] =	ssyncset.done $0x0  }
0x23: {  	s20 =	simm.s32 $0xF50;
	[sflag:s11] =	ssyncadd.s32 $0xFFFFFCF0  }
0x24: {  	[tilespmem:s20], [sflag:$0x1] =	stream.indirect.gather [hbm4b:s3+s15], $0x10, s2, s15, $0xb8;
	[tilespmem:$0x10450] =	vst v63  }
0x25: {  	s21 =	simm.s32 $0x1650  }
0x26: {  	[tilespmem:s21], [sflag:$0x1] =	stream.indirect.gather [hbm4b:s3+s15], $0x10, s15, s15, $0xb8;
	[tilespmem:$0x10450] =	vst v63  }
0x27: {  	s22 =	simm.s32 $0xE0;
	s21 =	simm.s32 $0x1D50  }
0x28: {  	[tilespmem:s21], [sflag:$0x1] =	stream.indirect.gather [hbm4b:s3+s15], $0x10, s22, s15, $0xb8;
	[tilespmem:$0x10450] =	vst v63  }
0x29: {  	s21 =	simm.s32 $0x150;
	s22 =	simm.s32 $0x2450  }
0x2a: {  	[tilespmem:s22], [sflag:$0x1] =	stream.indirect.gather [hbm4b:s3+s15], $0x10, s21, s15, $0xb8;
	[tilespmem:$0x10450] =	vst v63  }
0x2b: {  	s21 =	simm.s32 $0x1C0;
	s22 =	simm.s32 $0x2B50  }
0x2c: {  	[tilespmem:s22], [sflag:$0x1] =	stream.indirect.gather [hbm4b:s3+s15], $0x10, s21, s15, $0xb8;
	[tilespmem:$0x10450] =	vst v63  }
0x2d: {  	s21 =	simm.s32 $0x230;
	s22 =	simm.s32 $0x3250  }
0x2e: {  	[tilespmem:s22], [sflag:$0x1] =	stream.indirect.gather [hbm4b:s3+s15], $0x10, s21, s15, $0xb8;
	[tilespmem:$0x10450] =	vst v63  }
0x2f: {  	s21 =	simm.s32 $0x2A0;
	s22 =	simm.s32 $0x3950  }
0x30: {  	[tilespmem:s22], [sflag:$0x1] =	stream.indirect.gather [hbm4b:s3+s15], $0x10, s21, s15, $0xb8;
	[tilespmem:$0x10450] =	vst v63  }
0x31: {  	s22 =	simm.s32 $0x4050  }
0x32: {  	[tilespmem:s22], [sflag:$0x1] =	stream.indirect.gather [hbm4b:s3+s15], $0x10, s12, s15, $0xb8;
	[tilespmem:$0x10450] =	vst v63  }
0x33: {  	s21 =	simm.s32 $0x380;
	s22 =	simm.s32 $0x4750  }
0x34: {  	[tilespmem:s22], [sflag:$0x1] =	stream.indirect.gather [hbm4b:s3+s15], $0x10, s21, s15, $0xb8;
	[tilespmem:$0x10450] =	vst v63  }
0x35: {  	s21 =	simm.s32 $0x3F0;
	s22 =	simm.s32 $0x4E50  }
0x36: {  	[tilespmem:s22], [sflag:$0x1] =	stream.indirect.gather [hbm4b:s3+s15], $0x10, s21, s15, $0xb8;
	[tilespmem:$0x10450] =	vst v63  }
0x37: {  	s21 =	simm.s32 $0x460;
	s22 =	simm.s32 $0x5550  }
0x38: {  	[tilespmem:s22], [sflag:$0x1] =	stream.indirect.gather [hbm4b:s3+s15], $0x10, s21, s15, $0xb8;
	[tilespmem:$0x10450] =	vst v63  }
0x39: {  	s21 =	simm.s32 $0x4D0;
	s22 =	simm.s32 $0x5C50  }
0x3a: {  	[tilespmem:s22], [sflag:$0x1] =	stream.indirect.gather [hbm4b:s3+s15], $0x10, s21, s15, $0xb8;
	[tilespmem:$0x10450] =	vst v63  }
0x3b: {  	s21 =	simm.s32 $0x540;
	s22 =	simm.s32 $0x6350  }
0x3c: {  	[tilespmem:s22], [sflag:$0x1] =	stream.indirect.gather [hbm4b:s3+s15], $0x10, s21, s15, $0xb8;
	[tilespmem:$0x10450] =	vst v63  }
0x3d: {  	s21 =	simm.s32 $0x5B0;
	s22 =	simm.s32 $0x6A50  }
0x3e: {  	[tilespmem:s22], [sflag:$0x1] =	stream.indirect.gather [hbm4b:s3+s15], $0x10, s21, s15, $0xb8;
	[tilespmem:$0x10450] =	vst v63  }
0x3f: {  	s22 =	simm.s32 $0x7150  }
0x40: {  	[tilespmem:s22], [sflag:$0x1] =	stream.indirect.gather [hbm4b:s3+s15], $0x10, s13, s15, $0xb8;
	[tilespmem:$0x10450] =	vst v63  }
0x41: {  	s21 =	simm.s32 $0x690;
	s22 =	simm.s32 $0x7850  }
0x42: {  	[tilespmem:s22], [sflag:$0x1] =	stream.indirect.gather [hbm4b:s3+s15], $0x10, s21, s15, $0xb8;
	[tilespmem:$0x10450] =	vst v63  }
0x43: {  	s21 =	simm.s32 $0x700;
	s22 =	simm.s32 $0x7F50  }
0x44: {  	[tilespmem:s22], [sflag:$0x1] =	stream.indirect.gather [hbm4b:s3+s15], $0x10, s21, s15, $0xb8;
	[tilespmem:$0x10450] =	vst v63  }
0x45: {  	s21 =	simm.s32 $0x770;
	s22 =	simm.s32 $0x8650  }
0x46: {  	[tilespmem:s22], [sflag:$0x1] =	stream.indirect.gather [hbm4b:s3+s15], $0x10, s21, s15, $0xb8;
	[tilespmem:$0x10450] =	vst v63  }
0x47: {  	s21 =	simm.s32 $0x7E0;
	s22 =	simm.s32 $0x8D50  }
0x48: {  	[tilespmem:s22], [sflag:$0x1] =	stream.indirect.gather [hbm4b:s3+s15], $0x10, s21, s15, $0xb8;
	[tilespmem:$0x10450] =	vst v63  }
0x49: {  	s21 =	simm.s32 $0x850;
	s22 =	simm.s32 $0x9450  }
0x4a: {  	[tilespmem:s22], [sflag:$0x1] =	stream.indirect.gather [hbm4b:s3+s15], $0x10, s21, s15, $0xb8;
	[tilespmem:$0x10450] =	vst v63  }
0x4b: {  	s21 =	simm.s32 $0x8C0;
	s22 =	simm.s32 $0x9B50  }
0x4c: {  	[tilespmem:s22], [sflag:$0x1] =	stream.indirect.gather [hbm4b:s3+s15], $0x10, s21, s15, $0xb8;
	[tilespmem:$0x10450] =	vst v63  }
0x4d: {  	s22 =	simm.s32 $0xA250  }
0x4e: {  	[tilespmem:s22], [sflag:$0x1] =	stream.indirect.gather [hbm4b:s3+s15], $0x10, s14, s15, $0xb8;
	[tilespmem:$0x10450] =	vst v63  }
0x4f: {  	s21 =	simm.s32 $0x9A0;
	s22 =	simm.s32 $0xA950  }
0x50: {  	[tilespmem:s22], [sflag:$0x1] =	stream.indirect.gather [hbm4b:s3+s15], $0x10, s21, s15, $0xb8;
	[tilespmem:$0x10450] =	vst v63  }
0x51: {  	_ = 	snop  }
0x52: {  	[tilespmem:s24], [sflag:$0x1] =	stream.indirect.gather [hbm4b:s3+s15], $0x10, s23, s15, $0xb8;
	[tilespmem:$0x10450] =	vst v63  }
0x53: {  	_ = 	snop  }
0x54: {  	[tilespmem:s26], [sflag:$0x1] =	stream.indirect.gather [hbm4b:s3+s15], $0x10, s25, s15, $0xb8;
	[tilespmem:$0x10450] =	vst v63  }
0x55: {  	_ = 	snop  }
0x56: {  	[tilespmem:s29], [sflag:$0x1] =	stream.indirect.gather [hbm4b:s3+s15], $0x10, s28, s15, $0xb8;
	[tilespmem:$0x10450] =	vst v63  }
0x57: {  	_ = 	snop  }
0x58: {  	[tilespmem:s31], [sflag:$0x1] =	stream.indirect.gather [hbm4b:s3+s15], $0x10, s30, s15, $0xb8;
	[tilespmem:$0x10450] =	vst v63  }
0x59: {  	_ = 	snop  }
0x5a: {  	[tilespmem:s0], [sflag:$0x1] =	stream.indirect.gather [hbm4b:s3+s15], $0x10, s1, s15, $0xb8;
	[tilespmem:$0x10450] =	vst v63  }
0x5b: {  	_ =	swait.ge [sflag:s16], $0x700  }
0x5c: {  	[sflag:s16] =	ssyncset.done $0x0  }
0x5d: {  	[sflag:s16] =	ssyncadd.s32 $0xFFFFF900  }
0x5e: {  	_ =	swait.ge [sflag:s16], $0x700  }
0x5f: {  	[sflag:s16] =	ssyncset.done $0x0  }
0x60: {  	[sflag:s16] =	ssyncadd.s32 $0xFFFFF900  }
0x61: {  	_ =	swait.ge [sflag:s16], $0x700  }
0x62: {  	[sflag:s16] =	ssyncset.done $0x0  }
0x63: {  	[sflag:s16] =	ssyncadd.s32 $0xFFFFF900  }
0x64: {  	_ =	swait.ge [sflag:s16], $0x700  }
0x65: {  	[sflag:s16] =	ssyncset.done $0x0  }
0x66: {  	[sflag:s16] =	ssyncadd.s32 $0xFFFFF900  }
0x67: {  	_ =	swait.ge [sflag:s16], $0x700  }
0x68: {  	[sflag:s16] =	ssyncset.done $0x0  }
0x69: {  	[sflag:s16] =	ssyncadd.s32 $0xFFFFF900  }
0x6a: {  	_ =	swait.ge [sflag:s16], $0x700  }
0x6b: {  	[sflag:s16] =	ssyncset.done $0x0  }
0x6c: {  	[sflag:s16] =	ssyncadd.s32 $0xFFFFF900  }
0x6d: {  	_ =	swait.ge [sflag:s16], $0x700  }
0x6e: {  	[sflag:s16] =	ssyncset.done $0x0  }
0x6f: {  	[sflag:s16] =	ssyncadd.s32 $0xFFFFF900  }
0x70: {  	_ =	swait.ge [sflag:s16], $0x700  }
0x71: {  	[sflag:s16] =	ssyncset.done $0x0  }
0x72: {  	[sflag:s16] =	ssyncadd.s32 $0xFFFFF900  }
0x73: {  	_ =	swait.ge [sflag:s16], $0x700  }
0x74: {  	[sflag:s16] =	ssyncset.done $0x0  }
0x75: {  	[sflag:s16] =	ssyncadd.s32 $0xFFFFF900  }
0x76: {  	_ =	swait.ge [sflag:s16], $0x700  }
0x77: {  	[sflag:s16] =	ssyncset.done $0x0  }
0x78: {  	[sflag:s16] =	ssyncadd.s32 $0xFFFFF900  }
0x79: {  	_ =	swait.ge [sflag:s16], $0x700  }
0x7a: {  	[sflag:s16] =	ssyncset.done $0x0  }
0x7b: {  	[sflag:s16] =	ssyncadd.s32 $0xFFFFF900  }
0x7c: {  	_ =	swait.ge [sflag:s16], $0x700  }
0x7d: {  	[sflag:s16] =	ssyncset.done $0x0  }
0x7e: {  	[sflag:s16] =	ssyncadd.s32 $0xFFFFF900  }
0x7f: {  	_ =	swait.ge [sflag:s16], $0x700  }
0x80: {  	[sflag:s16] =	ssyncset.done $0x0  }
0x81: {  	[sflag:s16] =	ssyncadd.s32 $0xFFFFF900  }
0x82: {  	_ =	swait.ge [sflag:s16], $0x700  }
0x83: {  	[sflag:s16] =	ssyncset.done $0x0  }
0x84: {  	[sflag:s16] =	ssyncadd.s32 $0xFFFFF900  }
0x85: {  	_ =	swait.ge [sflag:s16], $0x700  }
0x86: {  	[sflag:s16] =	ssyncset.done $0x0  }
0x87: {  	[sflag:s16] =	ssyncadd.s32 $0xFFFFF900  }
0x88: {  	_ =	swait.ge [sflag:s16], $0x700  }
0x89: {  	[sflag:s16] =	ssyncset.done $0x0  }
0x8a: {  	[sflag:s16] =	ssyncadd.s32 $0xFFFFF900  }
0x8b: {  	_ =	swait.ge [sflag:s16], $0x700  }
0x8c: {  	[sflag:s16] =	ssyncset.done $0x0  }
0x8d: {  	[sflag:s16] =	ssyncadd.s32 $0xFFFFF900  }
0x8e: {  	_ =	swait.ge [sflag:s16], $0x700  }
0x8f: {  	[sflag:s16] =	ssyncset.done $0x0  }
0x90: {  	[sflag:s16] =	ssyncadd.s32 $0xFFFFF900  }
0x91: {  	_ =	swait.ge [sflag:s16], $0x700  }
0x92: {  	[sflag:s16] =	ssyncset.done $0x0  }
0x93: {  	[sflag:s16] =	ssyncadd.s32 $0xFFFFF900  }
0x94: {  	_ =	swait.ge [sflag:s16], $0x700  }
0x95: {  	[sflag:s16] =	ssyncset.done $0x0  }
0x96: {  	[sflag:s16] =	ssyncadd.s32 $0xFFFFF900  }
0x97: {  	_ =	swait.ge [sflag:s16], $0x700  }
0x98: {  	[sflag:s16] =	ssyncset.done $0x0  }
0x99: {  	[sflag:s16] =	ssyncadd.s32 $0xFFFFF900  }
0x9a: {  	_ =	swait.ge [sflag:s16], $0x700  }
0x9b: {  	[sflag:s16] =	ssyncset.done $0x0  }
0x9c: {  	[sflag:s16] =	ssyncadd.s32 $0xFFFFF900  }
0x9d: {  	_ =	swait.ge [sflag:s16], $0x700  }
0x9e: {  	[sflag:s16] =	ssyncset.done $0x0  }
0x9f: {  	[sflag:s16] =	ssyncadd.s32 $0xFFFFF900  }
0xa0: {  	_ =	swait.ge [sflag:s16], $0x700  }
0xa1: {  	[sflag:s16] =	ssyncset.done $0x0  }
0xa2: {  	[sflag:s16] =	ssyncadd.s32 $0xFFFFF900  }
0xa3: {  	_ =	swait.ge [sflag:s16], $0x700  }
0xa4: {  	[sflag:s16] =	ssyncset.done $0x0  }
0xa5: {  	[sflag:s16] =	ssyncadd.s32 $0xFFFFF900  }
0xa6: {  	_ =	swait.ge [sflag:s16], $0x700  }
0xa7: {  	[sflag:s16] =	ssyncset.done $0x0  }
0xa8: {  	[sflag:s16] =	ssyncadd.s32 $0xFFFFF900  }
0xa9: {  	_ =	swait.ge [sflag:s16], $0x700  }
0xaa: {  	[sflag:s16] =	ssyncset.done $0x0  }
0xab: {  	[sflag:s16] =	ssyncadd.s32 $0xFFFFF900  }
0xac: {  	_ =	swait.ge [sflag:s16], $0x700  }
0xad: {  	[sflag:s16] =	ssyncset.done $0x0  }
0xae: {  	s22 =	simm.s32 $0x0;
	[sflag:s16] =	ssyncadd.s32 $0xFFFFF900  }
0xaf: {  	v4 =	vld [tilespmem:s22+$0xF50]  }
0xb0: {  	v5 =	vld [tilespmem:s22+$0x4050]  }
0xb1: {  	v6 =	vld [tilespmem:s22+$0x7150]  }
0xb2: {  	v7 =	vld [tilespmem:s22+$0xA250]  }
0xb3: {  	v8 =	vld [tilespmem:s22+$0xF60]  }
0xb4: {  	v9 =	vld [tilespmem:s22+$0x4060]  }
0xb5: {  	v10 =	vld [tilespmem:s22+$0x7160]  }
0xb6: {  	v11 =	vld [tilespmem:s22+$0xA260]  }
0xb7: {  	v12 =	vld [tilespmem:s22+$0xF70]  }
0xb8: {  	v13 =	vld [tilespmem:s22+$0x4070]  }
0xb9: {  	v14 =	vld [tilespmem:s22+$0x7170]  }
0xba: {  	v15 =	vld [tilespmem:s22+$0xA270]  }
0xbb: {  	v16 =	vld [tilespmem:s22+$0xF80]  }
0xbc: {  	v17 =	vld [tilespmem:s22+$0x4080]  }
0xbd: {  	v18 =	vld [tilespmem:s22+$0x7180]  }
0xbe: {  	v19 =	vld [tilespmem:s22+$0xA280]  }
0xbf: {  	v20 =	vld [tilespmem:s22+$0xF90]  }
0xc0: {  	v21 =	vld [tilespmem:s22+$0x4090]  }
0xc1: {  	v22 =	vld [tilespmem:s22+$0x7190]  }
0xc2: {  	v23 =	vld [tilespmem:s22+$0xA290]  }
0xc3: {  	v24 =	vld [tilespmem:s22+$0xFA0]  }
0xc4: {  	v25 =	vld [tilespmem:s22+$0x40A0]  }
0xc5: {  	v26 =	vld [tilespmem:s22+$0x71A0]  }
0xc6: {  	v27 =	vld [tilespmem:s22+$0xA2A0]  }
0xc7: {  	v28 =	vld [tilespmem:s22+$0xFB0]  }
0xc8: {  	v29 =	vld [tilespmem:s22+$0x40B0]  }
0xc9: {  	v30 =	vld [tilespmem:s22+$0x71B0]  }
0xca: {  	v31 =	vld [tilespmem:s22+$0xA2B0]  }
0xcb: {  	v32 =	vld [tilespmem:s22+$0xFC0]  }
0xcc: {  	v33 =	vld [tilespmem:s22+$0x40C0]  }
0xcd: {  	v34 =	vld [tilespmem:s22+$0x71C0]  }
0xce: {  	v35 =	vld [tilespmem:s22+$0xA2C0]  }
0xcf: {  	v36 =	vld [tilespmem:s22+$0xFD0]  }
0xd0: {  	v37 =	vld [tilespmem:s22+$0x40D0]  }
0xd1: {  	v38 =	vld [tilespmem:s22+$0x71D0]  }
0xd2: {  	v39 =	vld [tilespmem:s22+$0xA2D0]  }
0xd3: {  	v40 =	vld [tilespmem:s22+$0xFE0]  }
0xd4: {  	v41 =	vld [tilespmem:s22+$0x40E0]  }
0xd5: {  	v42 =	vld [tilespmem:s22+$0x71E0]  }
0xd6: {  	v43 =	vld [tilespmem:s22+$0xA2E0]  }
0xd7: {  	v44 =	vld [tilespmem:s22+$0xFF0]  }
0xd8: {  	v45 =	vld [tilespmem:s22+$0x40F0]  }
0xd9: {  	v46 =	vld [tilespmem:s22+$0x71F0]  }
0xda: {  	v47 =	vld [tilespmem:s22+$0xA2F0]  }
0xdb: {  	v48 =	vld [tilespmem:s22+$0x1000]  }
0xdc: {  	v49 =	vld [tilespmem:s22+$0x4100]  }
0xdd: {  	v50 =	vld [tilespmem:s22+$0x7200]  }
0xde: {  	v51 =	vld [tilespmem:s22+$0xA300]  }
0xdf: {  	v52 =	vld [tilespmem:s22+$0x1010]  }
0xe0: {  	v53 =	vld [tilespmem:s22+$0x4110]  }
0xe1: {  	v54 =	vld [tilespmem:s22+$0x7210]  }
0xe2: {  	v55 =	vld [tilespmem:s22+$0xA310]  }
0xe3: {  	v56 =	vld [tilespmem:s22+$0x1020]  }
0xe4: {  	s20 =	simm.s32 $0x100;
	v57 =	vld [tilespmem:s22+$0x4120]  }
0xe5: {  	v0 =	vld [tilespmem:s20+$0xF50]  }
0xe6: {  	v58 =	vld [tilespmem:s19+$0x0]  }
0xe7: {  	v1 =	vld [tilespmem:s20+$0x4050]  }
0xe8: {  	v2 =	vld [tilespmem:s20+$0x7150]  }
0xe9: {  	v3 =	vld [tilespmem:s20+$0xA250]  }
0xea: {  	v59 =	vsub.f32 v4, v5;
	v4 =	vld [tilespmem:s20+$0xF60]  }
0xeb: {  	v6 =	vsub.f32 v6, v7;
	v8 =	vsub.f32 v8, v9;
	v5 =	vld [tilespmem:s20+$0x4060]  }
0xec: {  	v9 =	vsub.f32 v10, v11;
	v12 =	vsub.f32 v12, v13;
	v7 =	vld [tilespmem:s20+$0xA260]  }
0xed: {  	v13 =	vsub.f32 v14, v15;
	v10 =	vsub.f32 v59, v6;
	v6 =	vld [tilespmem:s20+$0x7160]  }
0xee: {  	v11 =	vbroadcast v58, $0x0;
	v15 =	vbroadcast v58, $0x1;
	v14 =	vsub.f32 v8, v9;
	v8 =	vld [tilespmem:s20+$0xF70]  }
0xef: {  	v9 =	vld [tilespmem:s20+$0x4070];
	v12 =	vsub.f32 v12, v13  }
0xf0: {  	v10 =	vmul.f32 v10, v11;
	v11 =	vsub.f32 v16, v17;
	v13 =	vmul.f32 v14, v15;
	v14 =	vld [tilespmem:s22+$0x7220]  }
0xf1: {  	v16 =	vsub.f32 v18, v19;
	v15 =	vbroadcast v58, $0x2;
	v17 =	vsub.f32 v20, v21;
	v21 =	vld [tilespmem:s22+$0x1030]  }
0xf2: {  	v18 =	vsub.f32 v22, v23;
	v19 =	vsub.f32 v26, v27;
	v22 =	vld [tilespmem:s22+$0x4130]  }
0xf3: {  	[tilespmem:s22+$0xD350] =	vst v10;
	v11 =	vsub.f32 v11, v16;
	v12 =	vmul.f32 v12, v15;
	v15 =	vld [tilespmem:s22+$0xA320];
	v16 =	vsub.f32 v24, v25  }
0xf4: {  	v17 =	vsub.f32 v17, v18;
	v18 =	vsub.f32 v30, v31;
	v10 =	vld [tilespmem:s20+$0x7170];
	[tilespmem:s22+$0xD360] =	vst v13;
	v13 =	vbroadcast v58, $0x3  }
0xf5: {  	v20 =	vld [tilespmem:s20+$0xA270];
	[tilespmem:s22+$0xD370] =	vst v12;
	v12 =	vsub.f32 v28, v29;
	v16 =	vsub.f32 v16, v19;
	v19 =	vbroadcast v58, $0x5  }
0xf6: {  	v23 =	vld [tilespmem:s22+$0x7230];
	v11 =	vmul.f32 v11, v13;
	v13 =	vbroadcast v58, $0x4  }
0xf7: {  	v26 =	vld [tilespmem:s22+$0x1040];
	v12 =	vsub.f32 v12, v18;
	v18 =	vbroadcast v58, $0x6  }
0xf8: {  	v27 =	vld [tilespmem:s22+$0x4140];
	v16 =	vmul.f32 v16, v19;
	v19 =	vsub.f32 v38, v39;
	v13 =	vmul.f32 v17, v13  }
0xf9: {  	v24 =	vld [tilespmem:s20+$0xF80];
	[tilespmem:s22+$0xD380] =	vst v11;
	v11 =	vsub.f32 v32, v33;
	v17 =	vsub.f32 v34, v35  }
0xfa: {  	v14 =	vsub.f32 v14, v15;
	v28 =	vld [tilespmem:s20+$0x4080];
	v12 =	vmul.f32 v12, v18;
	[tilespmem:s22+$0xD390] =	vst v13;
	v13 =	vsub.f32 v36, v37  }
0xfb: {  	v25 =	vld [tilespmem:s22+$0xA330];
	v18 =	vsub.f32 v42, v43;
	v11 =	vsub.f32 v11, v17;
	v17 =	vbroadcast v58, $0x7  }
0xfc: {  	v38 =	vld [tilespmem:s20+$0x7180];
	[tilespmem:s22+$0xD3A0] =	vst v16;
	v16 =	vsub.f32 v40, v41;
	v13 =	vsub.f32 v13, v19  }
0xfd: {  	v39 =	vld [tilespmem:s20+$0xA280];
	v11 =	vmul.f32 v11, v17;
	v17 =	vbroadcast v58, $0x8;
	[tilespmem:s22+$0xD3B0] =	vst v12;
	v12 =	vsub.f32 v44, v45  }
0xfe: {  	v30 =	vld [tilespmem:s22+$0xA340];
	v19 =	vsub.f32 v46, v47;
	v16 =	vsub.f32 v16, v18  }
0xff: {  	v40 =	vld [tilespmem:s20+$0xF90];
	v18 =	vbroadcast v58, $0x9;
	v13 =	vmul.f32 v13, v17;
	[tilespmem:s22+$0xD3C0] =	vst v11;
	v11 =	vsub.f32 v48, v49  }
0x100: {  	v29 =	vld [tilespmem:s22+$0x7240];
	v17 =	vsub.f32 v50, v51;
	v12 =	vsub.f32 v12, v19;
	v19 =	vbroadcast v58, $0xA  }
0x101: {  	v41 =	vld [tilespmem:s20+$0x4090];
	v16 =	vmul.f32 v16, v18;
	v18 =	vsub.f32 v54, v55;
	[tilespmem:s22+$0xD3D0] =	vst v13;
	v13 =	vsub.f32 v52, v53  }
0x102: {  	v11 =	vsub.f32 v11, v17;
	v17 =	vbroadcast v58, $0xB;
	v12 =	vmul.f32 v12, v19  }
0x103: {  	v42 =	vld [tilespmem:s20+$0x7190];
	[tilespmem:s22+$0xD3E0] =	vst v16;
	v16 =	vsub.f32 v56, v57;
	v13 =	vsub.f32 v13, v18  }
0x104: {  	v15 =	vld [tilespmem:s20+$0xA290];
	v11 =	vmul.f32 v11, v17;
	v17 =	vbroadcast v58, $0xC;
	[tilespmem:s22+$0xD3F0] =	vst v12;
	v12 =	vsub.f32 v21, v22  }
0x105: {  	v18 =	vsub.f32 v23, v25;
	v14 =	vsub.f32 v16, v14;
	v16 =	vbroadcast v58, $0xD  }
0x106: {  	v43 =	vld [tilespmem:s20+$0xFA0];
	v13 =	vmul.f32 v13, v17;
	[tilespmem:s22+$0xD400] =	vst v11;
	v11 =	vsub.f32 v26, v27;
	v17 =	vsub.f32 v29, v30  }
0x107: {  	v12 =	vsub.f32 v12, v18;
	v18 =	vbroadcast v58, $0xE  }
0x108: {  	v14 =	vmul.f32 v14, v16;
	v16 =	vbroadcast v58, $0xF;
	v11 =	vsub.f32 v11, v17  }
0x109: {  	v44 =	vld [tilespmem:s20+$0x40A0];
	[tilespmem:s22+$0xD410] =	vst v13;
	v12 =	vmul.f32 v12, v18  }
0x10a: {  	v13 =	vld [tilespmem:s20+$0x71A0];
	[tilespmem:s22+$0xD420] =	vst v14;
	v11 =	vmul.f32 v11, v16  }
0x10b: {  	v14 =	vld [tilespmem:s20+$0xA2A0];
	[tilespmem:s22+$0xD430] =	vst v12  }
0x10c: {  	v12 =	vld [tilespmem:s20+$0xFB0];
	[tilespmem:s22+$0xD440] =	vst v11  }
0x10d: {  	v11 =	vld [tilespmem:s20+$0x40B0]  }
0x10e: {  	v16 =	vld [tilespmem:s20+$0x71B0]  }
0x10f: {  	v17 =	vld [tilespmem:s20+$0xA2B0]  }
0x110: {  	v45 =	vld [tilespmem:s20+$0xFC0]  }
0x111: {  	v46 =	vld [tilespmem:s20+$0x40C0]  }
0x112: {  	v47 =	vld [tilespmem:s20+$0x71C0]  }
0x113: {  	v48 =	vld [tilespmem:s20+$0xA2C0]  }
0x114: {  	v49 =	vld [tilespmem:s20+$0xFD0]  }
0x115: {  	v50 =	vld [tilespmem:s20+$0x40D0]  }
0x116: {  	v51 =	vld [tilespmem:s20+$0x71D0]  }
0x117: {  	v52 =	vld [tilespmem:s20+$0xA2D0]  }
0x118: {  	v60 =	vld [tilespmem:s20+$0xFE0]  }
0x119: {  	v61 =	vld [tilespmem:s20+$0x40E0]  }
0x11a: {  	v62 =	vld [tilespmem:s20+$0x71E0]  }
0x11b: {  	v63 =	vld [tilespmem:s20+$0xA2E0]  }
0x11c: {  	v18 =	vld [tilespmem:s20+$0xFF0]  }
0x11d: {  	v22 =	vld [tilespmem:s20+$0x40F0]  }
0x11e: {  	v25 =	vld [tilespmem:s20+$0x71F0]  }
0x11f: {  	v30 =	vld [tilespmem:s20+$0xA2F0]  }
0x120: {  	v23 =	vld [tilespmem:s20+$0x1000]  }
0x121: {  	v29 =	vld [tilespmem:s20+$0x4100]  }
0x122: {  	v31 =	vld [tilespmem:s20+$0x7200]  }
0x123: {  	v33 =	vld [tilespmem:s20+$0xA300]  }
0x124: {  	v32 =	vld [tilespmem:s20+$0x1010]  }
0x125: {  	v34 =	vld [tilespmem:s20+$0x4110]  }
0x126: {  	v35 =	vld [tilespmem:s20+$0x7210]  }
0x127: {  	v37 =	vld [tilespmem:s20+$0xA310]  }
0x128: {  	v36 =	vld [tilespmem:s20+$0x1020]  }
0x129: {  	v5 =	vsub.f32 v4, v5;
	v21 =	vsub.f32 v2, v3;
	v2 =	vld [tilespmem:s20+$0x4120]  }
0x12a: {  	v19 =	vsub.f32 v0, v1;
	v26 =	vsub.f32 v6, v7;
	v3 =	vld [tilespmem:s20+$0x7220]  }
0x12b: {  	v6 =	vsub.f32 v8, v9;
	v27 =	vsub.f32 v10, v20;
	v4 =	vld [tilespmem:s20+$0xA320]  }
0x12c: {  	v7 =	vsub.f32 v24, v28;
	v28 =	vsub.f32 v38, v39;
	v38 =	vld [tilespmem:s20+$0x1030]  }
0x12d: {  	v8 =	vsub.f32 v40, v41;
	v24 =	vsub.f32 v42, v15;
	v39 =	vld [tilespmem:s20+$0x4130]  }
0x12e: {  	v9 =	vsub.f32 v43, v44;
	v40 =	vld [tilespmem:s20+$0x7230];
	v20 =	vsub.f32 v13, v14  }
0x12f: {  	v41 =	vld [tilespmem:s20+$0xA330];
	v10 =	vsub.f32 v12, v11;
	v17 =	vsub.f32 v16, v17  }
0x130: {  	v42 =	vld [tilespmem:s20+$0x1040];
	v11 =	vsub.f32 v45, v46;
	v16 =	vsub.f32 v47, v48  }
0x131: {  	v43 =	vld [tilespmem:s20+$0x4140];
	v12 =	vsub.f32 v49, v50;
	v15 =	vsub.f32 v51, v52  }
0x132: {  	s21 =	simm.s32 $0x800;
	v44 =	vld [tilespmem:s20+$0x7240];
	v13 =	vsub.f32 v60, v61;
	v14 =	vsub.f32 v62, v63  }
.LBB2_2:
0x133: {  	s22 =	sshra.s32 s21, $0x2;
	p0 =	sne.s32 s21, $0xC000;
	v18 =	vsub.f32 v18, v22;
	v22 =	vsub.f32 v25, v30;
	v25 =	vld [tilespmem:s20+$0xA340]  }
0x134: {  	v23 =	vsub.f32 v23, v29;
	v29 =	vsub.f32 v31, v33;
	s19 =	sadd.s32 $0x10, s19;
	v0 =	vld [tilespmem:s22+$0xF50]  }
0x135: {  	v31 =	vsub.f32 v32, v34;
	v32 =	vsub.f32 v35, v37;
	v30 =	vld [tilespmem:s19+$0x0]  }
0x136: {  	v33 =	vsub.f32 v36, v2;
	v34 =	vsub.f32 v3, v4;
	v1 =	vld [tilespmem:s22+$0x4050]  }
0x137: {  	v35 =	vsub.f32 v38, v39;
	v36 =	vsub.f32 v40, v41;
	v2 =	vld [tilespmem:s22+$0x7150]  }
0x138: {  	v37 =	vsub.f32 v42, v43;
	v3 =	vld [tilespmem:s22+$0xA250];
	v25 =	vsub.f32 v44, v25  }
0x139: {  	v19 =	vsub.f32 v19, v21;
	v21 =	vsub.f32 v5, v26;
	v4 =	vld [tilespmem:s22+$0xF60]  }
0x13a: {  	v27 =	vsub.f32 v6, v27;
	v5 =	vld [tilespmem:s22+$0x4060];
	v26 =	vbroadcast v30, $0x0;
	v38 =	vbroadcast v30, $0x1  }
0x13b: {  	v28 =	vsub.f32 v7, v28;
	v39 =	vbroadcast v30, $0x2;
	v40 =	vbroadcast v30, $0x3;
	v6 =	vld [tilespmem:s22+$0x7160]  }
0x13c: {  	v24 =	vsub.f32 v8, v24;
	v7 =	vld [tilespmem:s22+$0xA260];
	v19 =	vmul.f32 v19, v26;
	v21 =	vmul.f32 v21, v38  }
0x13d: {  	v20 =	vsub.f32 v9, v20;
	v26 =	vmul.f32 v27, v39;
	v27 =	vmul.f32 v28, v40;
	v8 =	vld [tilespmem:s22+$0xF70]  }
0x13e: {  	v17 =	vsub.f32 v10, v17;
	v28 =	vbroadcast v30, $0x5;
	v9 =	vld [tilespmem:s22+$0x4070];
	[tilespmem:s20+$0xD350] =	vst v19;
	v19 =	vbroadcast v30, $0x4  }
0x13f: {  	v16 =	vsub.f32 v11, v16;
	v38 =	vbroadcast v30, $0x7;
	v10 =	vld [tilespmem:s22+$0x7170];
	[tilespmem:s20+$0xD360] =	vst v21;
	v21 =	vbroadcast v30, $0x6  }
0x140: {  	v15 =	vsub.f32 v12, v15;
	v20 =	vmul.f32 v20, v28;
	v11 =	vld [tilespmem:s22+$0xA270];
	[tilespmem:s20+$0xD370] =	vst v26;
	v19 =	vmul.f32 v24, v19  }
0x141: {  	v13 =	vsub.f32 v13, v14;
	v16 =	vmul.f32 v16, v38;
	v12 =	vld [tilespmem:s22+$0xF80];
	[tilespmem:s20+$0xD380] =	vst v27;
	v17 =	vmul.f32 v17, v21  }
0x142: {  	v18 =	vsub.f32 v18, v22;
	v21 =	vbroadcast v30, $0x9;
	v14 =	vld [tilespmem:s22+$0x4080];
	[tilespmem:s20+$0xD390] =	vst v19;
	v19 =	vbroadcast v30, $0x8  }
0x143: {  	v22 =	vsub.f32 v23, v29;
	v23 =	vbroadcast v30, $0xB;
	v24 =	vld [tilespmem:s22+$0x7180];
	[tilespmem:s20+$0xD3A0] =	vst v20;
	v20 =	vbroadcast v30, $0xA  }
0x144: {  	v13 =	vmul.f32 v13, v21;
	v28 =	vld [tilespmem:s22+$0xA280];
	[tilespmem:s20+$0xD3B0] =	vst v17;
	v15 =	vmul.f32 v15, v19;
	v17 =	vsub.f32 v31, v32  }
0x145: {  	v19 =	vsub.f32 v33, v34;
	v39 =	vld [tilespmem:s22+$0xF90];
	[tilespmem:s20+$0xD3C0] =	vst v16;
	v16 =	vmul.f32 v18, v20;
	v18 =	vmul.f32 v22, v23  }
0x146: {  	v21 =	vbroadcast v30, $0xD;
	v22 =	vsub.f32 v35, v36;
	v20 =	vld [tilespmem:s22+$0x4090];
	[tilespmem:s20+$0xD3D0] =	vst v15;
	v15 =	vbroadcast v30, $0xC  }
0x147: {  	v23 =	vsub.f32 v37, v25;
	v25 =	vbroadcast v30, $0xF;
	v40 =	vld [tilespmem:s22+$0x7190];
	[tilespmem:s20+$0xD3E0] =	vst v13;
	v13 =	vbroadcast v30, $0xE  }
0x148: {  	v41 =	vld [tilespmem:s22+$0xA290];
	[tilespmem:s20+$0xD3F0] =	vst v16;
	v15 =	vmul.f32 v17, v15;
	v16 =	vmul.f32 v19, v21  }
0x149: {  	v17 =	vld [tilespmem:s22+$0xFA0];
	[tilespmem:s20+$0xD400] =	vst v18;
	v13 =	vmul.f32 v22, v13;
	v18 =	vmul.f32 v23, v25  }
0x14a: {  	v42 =	vld [tilespmem:s22+$0x40A0];
	[tilespmem:s20+$0xD410] =	vst v15  }
0x14b: {  	v15 =	vld [tilespmem:s22+$0x71A0];
	[tilespmem:s20+$0xD420] =	vst v16  }
0x14c: {  	v16 =	vld [tilespmem:s22+$0xA2A0];
	[tilespmem:s20+$0xD430] =	vst v13  }
0x14d: {  	v13 =	vld [tilespmem:s22+$0xFB0];
	[tilespmem:s20+$0xD440] =	vst v18;
	s20 =	smov.u32 s22  }
0x14e: {  	v43 =	vld [tilespmem:s20+$0x40B0]  }
0x14f: {  	v44 =	vld [tilespmem:s20+$0x71B0]  }
0x150: {  	v45 =	vld [tilespmem:s20+$0xA2B0]  }
0x151: {  	v46 =	vld [tilespmem:s20+$0xFC0]  }
0x152: {  	v47 =	vld [tilespmem:s20+$0x40C0]  }
0x153: {  	v48 =	vld [tilespmem:s20+$0x71C0]  }
0x154: {  	v49 =	vld [tilespmem:s20+$0xA2C0]  }
0x155: {  	v50 =	vld [tilespmem:s20+$0xFD0]  }
0x156: {  	v51 =	vld [tilespmem:s20+$0x40D0]  }
0x157: {  	v52 =	vld [tilespmem:s20+$0x71D0]  }
0x158: {  	v53 =	vld [tilespmem:s20+$0xA2D0]  }
0x159: {  	v54 =	vld [tilespmem:s20+$0xFE0]  }
0x15a: {  	v55 =	vld [tilespmem:s20+$0x40E0]  }
0x15b: {  	v56 =	vld [tilespmem:s20+$0x71E0]  }
0x15c: {  	v57 =	vld [tilespmem:s20+$0xA2E0]  }
0x15d: {  	v18 =	vld [tilespmem:s20+$0xFF0]  }
0x15e: {  	v22 =	vld [tilespmem:s20+$0x40F0]  }
0x15f: {  	v25 =	vld [tilespmem:s20+$0x71F0]  }
0x160: {  	v30 =	vld [tilespmem:s20+$0xA2F0]  }
0x161: {  	v23 =	vld [tilespmem:s20+$0x1000]  }
0x162: {  	v29 =	vld [tilespmem:s20+$0x4100]  }
0x163: {  	v31 =	vld [tilespmem:s20+$0x7200]  }
0x164: {  	v33 =	vld [tilespmem:s20+$0xA300]  }
0x165: {  	v32 =	vld [tilespmem:s20+$0x1010]  }
0x166: {  	v34 =	vld [tilespmem:s20+$0x4110]  }
0x167: {  	v35 =	vld [tilespmem:s20+$0x7210]  }
0x168: {  	v37 =	vld [tilespmem:s20+$0xA310]  }
0x169: {  	v36 =	vld [tilespmem:s20+$0x1020]  }
0x16a: {  	v19 =	vsub.f32 v0, v1;
	v21 =	vsub.f32 v2, v3;
	v2 =	vld [tilespmem:s20+$0x4120]  }
0x16b: {  	v5 =	vsub.f32 v4, v5;
	v26 =	vsub.f32 v6, v7;
	v3 =	vld [tilespmem:s20+$0x7220]  }
0x16c: {  	v6 =	vsub.f32 v8, v9;
	v27 =	vsub.f32 v10, v11;
	v4 =	vld [tilespmem:s20+$0xA320]  }
0x16d: {  	v7 =	vsub.f32 v12, v14;
	v28 =	vsub.f32 v24, v28;
	v38 =	vld [tilespmem:s20+$0x1030]  }
0x16e: {  	v8 =	vsub.f32 v39, v20;
	v24 =	vsub.f32 v40, v41;
	v39 =	vld [tilespmem:s20+$0x4130]  }
.Ltmp0:
0x16f: {  	v9 =	vsub.f32 v17, v42;
	v20 =	vsub.f32 v15, v16;
	v40 =	vld [tilespmem:s20+$0x7230];
	(pc) =	sbr.rel @p0 .LBB2_2-.Ltmp0, $4  }
0x170: {  	v10 =	vsub.f32 v13, v43;
	v17 =	vsub.f32 v44, v45;
	v41 =	vld [tilespmem:s20+$0xA330]  }
0x171: {  	v11 =	vsub.f32 v46, v47;
	v16 =	vsub.f32 v48, v49;
	v42 =	vld [tilespmem:s20+$0x1040]  }
0x172: {  	v12 =	vsub.f32 v50, v51;
	v15 =	vsub.f32 v52, v53;
	v43 =	vld [tilespmem:s20+$0x4140]  }
0x173: {  	s21 =	sadd.s32 $0x400, s21;
	v13 =	vsub.f32 v54, v55;
	v14 =	vsub.f32 v56, v57;
	v44 =	vld [tilespmem:s20+$0x7240]  }
0x174: {  	s19 =	sadd.s32 $0x10, s19  }
0x175: {  	v0 =	vsub.f32 v18, v22;
	v1 =	vsub.f32 v25, v30;
	v18 =	vld [tilespmem:s19+$0x0]  }
0x176: {  	v23 =	vsub.f32 v23, v29;
	v58 =	vsub.f32 v31, v33  }
0x177: {  	v59 =	vsub.f32 v32, v34;
	v60 =	vsub.f32 v35, v37  }
0x178: {  	v2 =	vsub.f32 v36, v2;
	v3 =	vsub.f32 v3, v4  }
0x179: {  	v61 =	vsub.f32 v38, v39;
	v19 =	vsub.f32 v19, v21  }
0x17a: {  	v5 =	vsub.f32 v5, v26;
	v6 =	vsub.f32 v6, v27;
	v34 =	vbroadcast v18, $0x0  }
0x17b: {  	v57 =	vld [tilespmem:s20+$0xA340];
	v7 =	vsub.f32 v7, v28;
	v8 =	vsub.f32 v8, v24;
	v35 =	vbroadcast v18, $0x1  }
0x17c: {  	v9 =	vsub.f32 v9, v20;
	v36 =	vbroadcast v18, $0x2;
	v19 =	vmul.f32 v19, v34  }
0x17d: {  	v45 =	vsub.f32 v12, v15;
	v37 =	vbroadcast v18, $0x3;
	v5 =	vmul.f32 v5, v35  }
0x17e: {  	v63 =	vsub.f32 v42, v43;
	v38 =	vbroadcast v18, $0x4;
	v6 =	vmul.f32 v6, v36;
	[tilespmem:s20+$0xD350] =	vst v19  }
0x17f: {  	v43 =	vsub.f32 v11, v16;
	v39 =	vbroadcast v18, $0x5;
	v7 =	vmul.f32 v7, v37;
	[tilespmem:s20+$0xD360] =	vst v5  }
0x180: {  	v22 =	vsub.f32 v44, v57;
	v44 =	vbroadcast v18, $0x7;
	v42 =	vmul.f32 v8, v38;
	[tilespmem:s20+$0xD370] =	vst v6  }
0x181: {  	v62 =	vsub.f32 v40, v41;
	v46 =	vbroadcast v18, $0x8;
	v9 =	vmul.f32 v9, v39;
	[tilespmem:s20+$0xD380] =	vst v7  }
0x182: {  	v47 =	vsub.f32 v13, v14;
	v48 =	vbroadcast v18, $0x9;
	v8 =	vmul.f32 v43, v44;
	[tilespmem:s20+$0xD390] =	vst v42  }
0x183: {  	v0 =	vsub.f32 v0, v1;
	v49 =	vbroadcast v18, $0xA;
	v50 =	vmul.f32 v45, v46;
	[tilespmem:s20+$0xD3A0] =	vst v9  }
0x184: {  	v51 =	vsub.f32 v23, v58;
	v52 =	vbroadcast v18, $0xB;
	v53 =	vmul.f32 v47, v48;
	[tilespmem:s20+$0xD3C0] =	vst v8  }
0x185: {  	v54 =	vsub.f32 v59, v60;
	v55 =	vbroadcast v18, $0xC;
	v0 =	vmul.f32 v0, v49;
	[tilespmem:s20+$0xD3D0] =	vst v50  }
0x186: {  	v2 =	vsub.f32 v2, v3;
	v57 =	vbroadcast v18, $0xD;
	v56 =	vmul.f32 v51, v52;
	[tilespmem:s20+$0xD3E0] =	vst v53  }
0x187: {  	v4 =	vsub.f32 v61, v62;
	v58 =	vbroadcast v18, $0xE;
	v59 =	vmul.f32 v54, v55;
	[tilespmem:s20+$0xD3F0] =	vst v0  }
0x188: {  	v61 =	vbroadcast v18, $0xF;
	v60 =	vsub.f32 v63, v22;
	v2 =	vmul.f32 v2, v57;
	[tilespmem:s20+$0xD400] =	vst v56  }
0x189: {  	v40 =	vsub.f32 v10, v17;
	v41 =	vbroadcast v18, $0x6;
	v62 =	vmul.f32 v4, v58;
	[tilespmem:s20+$0xD410] =	vst v59  }
0x18a: {  	v63 =	vmul.f32 v60, v61;
	[tilespmem:s20+$0xD420] =	vst v2  }
0x18b: {  	s18 =	sadd.s32 $0x1, s18;
	v5 =	vmul.f32 v40, v41;
	[tilespmem:s20+$0xD430] =	vst v62  }
0x18c: {  	p0 =	sne.s32 s18, s10;
	[tilespmem:s20+$0xD440] =	vst v63  }
.Ltmp1:
0x18d: {  	[tilespmem:s20+$0xD3B0] =	vst v5;
	(pc) =	sbr.rel @p0 .LBB2_1-.Ltmp1, $4  }
0x18e: {  	[hbm4b:s9+s2] =	stream.linear.scatter [tilespmem:s17], [sflag:$0x2], $0x3100, $0x38;
	[tilespmem:$0x10450] =	vst v63  }
0x18f: {  	_ =	swait.ge [sflag:s11], $0x3100  }
0x190: {  	[sflag:s11] =	ssyncset.done $0x0  }
0x191: {  	[sflag:s11] =	ssyncadd.s32 $0xFFFFCF00  }
0x192: {  	_ =	sfence.sel $0x180000  }
0x193: {  	[bflag:$0x0] =	sbarrier.arrive $0xFFFF  }
0x194: {  	_ =	strace $0x90000047  }
0x195: {  	s0 =	stileid.u32;
	[bflag:$0x2] =	sbarrier.arrive $0xFFFF  }
0x196: {  	p0 =	sne.s32 s0, $0x0;
	s0 =	rddreg [dreg:$0x2]  }
0x197: {  	s0 =	sadd.s32 @!p0 $0x100000, s0  }
0x198: {  	[sflag:s0] =	ssyncadd.tile.s32 @!p0 $0x1;
	_ =	shalt  }
.Lfunc_end2:
_tile_overlayer_lowered:
.L_overlay_start_2:
0x199: {  	(tag) =	ssettag $0x2  }
0x19a: {  	s0 =	rddreg [dreg:$0x0];
	s2 =	stileid.u32  }
0x19b: {  	s1 =	rddreg [dreg:$0x1];
	p0 =	sne.s32 s2, $0x0  }
0x19c: {  	s3 =	rddreg [dreg:$0x2];
	[bflag:$0x3] =	sbarrier.arrive $0xFFFF;
	s2 =	simm.s32 @!p0 $0x1C02  }
0x19d: {  	[timem:s3], [sflag:s2] =	dma.local @!p0 [hbm:s0], s1  }
0x19e: {  	s0 =	simm.s32 @!p0 $0x2  }
0x19f: {  	_ =	swait.ge @!p0 [sflag:s0], s1  }
0x1a0: {  	s1 =	ssub.s32 @!p0 $0x0, s1;
	[sflag:s0] =	ssyncset.done @!p0 $0x0  }
0x1a1: {  	[sflag:s0] =	ssyncadd.s32 @!p0 s1  }
0x1a2: {  	[bflag:$0x3] =	sbarrier.arrive $0xFFFF  }
0x1a3: {  	_ =	shalt  }

</sc_bundles>
